<compile_context>
chip_gen: v7x
topology: tpu7x:2x2x1
jax: 0.10.2.dev20260603
libtpu: 0.0.44.dev20260713+nightly
codegen_flags: <defaults>
</compile_context>

<pallas_src>
import functools

import jax
import jax.numpy as jnp
from jax import lax
from jax.experimental import pallas as pl
from jax.experimental.pallas import tpu as pltpu
from jax.experimental.pallas import tpu_sc as plsc

NUM_STATES = 1000000
EMBED_DIM = 32
BATCH = 16384
SEQ_LEN = 200

TOTAL = BATCH * SEQ_LEN
NW = 32
CHUNK = 512
BBLK = CHUNK // 128
CHUNKS_PER_S = BATCH // CHUNK
NCHUNK = TOTAL // (CHUNK * NW)
NBUF = 2


def _emb_body(ids_hbm, table_hbm, out_hbm, idx_v, rows_v, trans_v,
              sem_g0, sem_g1, sem_s0, sem_s1):
    wid = lax.axis_index("s") * 2 + lax.axis_index("c")
    k0 = wid * NCHUNK

    sems_g = (sem_g0, sem_g1)
    sems_s = (sem_s0, sem_s1)
    lanes = lax.iota(jnp.int32, 16)

    def chunk_coords(g):
        k = k0 + g
        s = k // CHUNKS_PER_S
        b0 = (k % CHUNKS_PER_S) * CHUNK
        return s, b0

    def fire(g, b):
        s, b0 = chunk_coords(g)
        pltpu.sync_copy(ids_hbm.at[pl.ds(s * BATCH + b0, CHUNK)],
                        idx_v.at[b])
        def scale(k):
            idx_v[b, pl.ds(k * 16, 16)] = idx_v[b, pl.ds(k * 16, 16)] * 4
        plsc.parallel_loop(0, CHUNK // 16, 1, unroll=8)(scale)
        pltpu.async_copy(table_hbm.at[idx_v.at[b]],
                         rows_v.at[b], sems_g[b])

    def wait_gather(b):
        pltpu.make_async_copy(
            table_hbm.at[idx_v.at[b]],
            rows_v.at[b], sems_g[b]).wait()

    cbv = {c0: (c0 + lanes) // 8 for c0 in (0, 16)}
    crv = {c0: (c0 + lanes) % 8 for c0 in (0, 16)}

    def transpose(b):
        def row(bi):
            bbv = jnp.full((16,), bi // 128, jnp.int32)
            bcv = jnp.full((16,), bi % 128, jnp.int32)
            for c0 in (0, 16):
                val = rows_v[b, bi, pl.ds(c0, 16)]
                plsc.store_scatter(trans_v.at[b],
                                   [cbv[c0], bbv, crv[c0], bcv], val)
        plsc.parallel_loop(0, CHUNK, 1, unroll=8)(row)

    def fire_store(g, b):
        s, b0 = chunk_coords(g)
        pltpu.async_copy(trans_v.at[b, :, pl.ds(0, BBLK), :, pl.ds(0, 128)],
                         out_hbm.at[s, :, pl.ds(b0 // 128, BBLK)],
                         sems_s[b])

    def wait_store(b):
        pltpu.make_async_copy(
            trans_v.at[b, :, pl.ds(0, BBLK), :, pl.ds(0, 128)],
            out_hbm.at[0, :, pl.ds(0, BBLK)],
            sems_s[b]).wait()

    fire(0, 0)

    def body(i, _):
        g = 2 * i

        @pl.when(i > 0)
        def _():
            wait_store(1)
        fire(g + 1, 1)

        wait_gather(0)

        @pl.when(i > 0)
        def _():
            wait_store(0)
        transpose(0)
        fire_store(g, 0)

        @pl.when(i < NCHUNK // 2 - 1)
        def _():
            fire(g + 2, 0)

        wait_gather(1)
        transpose(1)
        fire_store(g + 1, 1)
        return 0

    lax.fori_loop(0, NCHUNK // 2, body, 0)

    wait_store(0)
    wait_store(1)


@functools.partial(
    pl.kernel,
    out_type=jax.ShapeDtypeStruct((SEQ_LEN, 4, BATCH // 128, 8, 128),
                                  jnp.float32),
    mesh=plsc.VectorSubcoreMesh(core_axis_name="c", subcore_axis_name="s"),
    scratch_types=[
        pltpu.VMEM((NBUF, CHUNK), jnp.int32),
        pltpu.VMEM((NBUF, CHUNK, EMBED_DIM), jnp.float32),
        pltpu.VMEM((NBUF, 4, BBLK + 1, 8, 129), jnp.float32),
        pltpu.SemaphoreType.DMA,
        pltpu.SemaphoreType.DMA,
        pltpu.SemaphoreType.DMA,
        pltpu.SemaphoreType.DMA,
    ],
    compiler_params=pltpu.CompilerParams(use_tc_tiling_on_sc=False,
                                         needs_layout_passes=False),
)
def _emb_lookup(ids_hbm, table_hbm, out_hbm, idx_v, rows_v, trans_v,
                sem_g0, sem_g1, sem_s0, sem_s1):
    _emb_body(ids_hbm, table_hbm, out_hbm, idx_v, rows_v, trans_v,
              sem_g0, sem_g1, sem_s0, sem_s1)


def kernel(state_ids, table):
    ids = state_ids.astype(jnp.int32).T.reshape(TOTAL)
    t4 = jnp.pad(table, ((0, 0), (0, 96))).reshape(4 * NUM_STATES,
                                                   EMBED_DIM)
    out5 = _emb_lookup(ids, t4)
    return out5.transpose(2, 4, 0, 1, 3).reshape(BATCH, SEQ_LEN, EMBED_DIM)

# --- scband reference (transcript-rebuilt; emitter-appended) ---
"""Pipeline reference for scband-state-embedding-27874337751299 (READ-ONLY COPY).

The authoritative reference and input builder live on the scoring server;
editing this copy changes nothing except your own understanding.
"""

import jax, jax.numpy as jnp
import numpy as np

NUM_STATES = 1000000
EMBED_DIM = 32
BATCH = 16384
SEQ_LEN = 200


def setup_inputs(seed: int = 0) -> dict:
    key = jax.random.key(seed)
    k_idx, k_tab = jax.random.split(key)
    state_ids = jax.random.randint(k_idx, (BATCH, SEQ_LEN), 0, NUM_STATES, dtype=jnp.int32)
    table = jax.random.normal(k_tab, (NUM_STATES, EMBED_DIM), dtype=jnp.float32)
    return {"state_ids": state_ids, "table": table}


def reference(state_ids, table):
    # Faithful translation of StateEmbedding.forward:
    #   clamp ids to [0, num_states-1], then embedding lookup (gather rows)
    ids = jnp.clip(state_ids.astype(jnp.int32), 0, NUM_STATES - 1)
    return jnp.take(table, ids, axis=0)

if __name__ == "__main__":
    import jax
    _d = setup_inputs()
    print(jax.jit(kernel)(*tuple(_d.values())))

</pallas_src>

<mosaic_0001>
#map = affine_map<(d0, d1) -> (0)>
#map1 = affine_map<(d0, d1) -> (0, 0)>
#map2 = affine_map<(d0, d1) -> (0, 0, 0, 0, 0)>
module attributes {stable_mosaic.version = 14 : i64} {
  func.func @_emb_lookup(%arg0: i32, %arg1: i32, %arg2: memref<3276800xi32, #tpu.memory_space<hbm>>, %arg3: memref<4000000x32xf32, #tpu.memory_space<hbm>>, %arg4: memref<200x4x128x8x128xf32, #tpu.memory_space<hbm>>, %arg5: memref<2x512xi32, #tpu.memory_space<vmem>>, %arg6: memref<2x512x32xf32, #tpu.memory_space<vmem>>, %arg7: memref<2x4x5x8x129xf32, #tpu.memory_space<vmem>>, %arg8: memref<!tpu.dma_semaphore, #tpu.memory_space<semaphore_mem>>, %arg9: memref<!tpu.dma_semaphore, #tpu.memory_space<semaphore_mem>>, %arg10: memref<!tpu.dma_semaphore, #tpu.memory_space<semaphore_mem>>, %arg11: memref<!tpu.dma_semaphore, #tpu.memory_space<semaphore_mem>>) attributes {dimension_semantics = [#tpu.dimension_semantics<core_parallel>, #tpu.dimension_semantics<subcore_parallel>], iteration_bounds = array<i64: 2, 16>, scalar_prefetch = 0 : i64, scratch_operands = 7 : i64, tpu.core_type = #tpu.core_type<sc_vector_subcore>, window_params = [{transform_indices = #map}, {transform_indices = #map1}, {transform_indices = #map2}]} {
    %mul3A = arith.constant 2 : i32
    %mul3A_0 = arith.muli %arg1, %mul3A : i32
    %add3A = arith.addi %mul3A_0, %arg0 : i32
    %mul3A_1 = arith.constant 200 : i32
    %mul3A_2 = arith.muli %add3A, %mul3A_1 : i32
    %iota3A = tpu.iota {dimensions = array<i32: 0>} : vector<16xi32>
    %add3A_3 = arith.constant 0 : i32
    %add3A_4 = vector.broadcast %add3A_3 : i32 to vector<16xi32>
    %add3A_5 = arith.addi %add3A_4, %iota3A : vector<16xi32>
    %jit3A = arith.constant 8 : i32
    %div3A = vector.broadcast %jit3A : i32 to vector<16xi32>
    %div3A_6 = arith.divsi %add3A_5, %div3A : vector<16xi32>
    %sign3A = arith.constant 0 : i32
    %sign3A_7 = vector.broadcast %sign3A : i32 to vector<16xi32>
    %sign3A_8 = arith.cmpi sgt, %add3A_5, %sign3A_7 : vector<16xi32>
    %sign3A_9 = arith.extui %sign3A_8 : vector<16xi1> to vector<16xi32>
    %sign3A_10 = arith.constant 0 : i32
    %sign3A_11 = vector.broadcast %sign3A_10 : i32 to vector<16xi32>
    %sign3A_12 = arith.cmpi slt, %add3A_5, %sign3A_11 : vector<16xi32>
    %sign3A_13 = arith.extui %sign3A_12 : vector<16xi1> to vector<16xi32>
    %sign3A_14 = arith.subi %sign3A_9, %sign3A_13 : vector<16xi32>
    %sign3A_15 = arith.constant 0 : i32
    %sign3A_16 = arith.cmpi sgt, %jit3A, %sign3A_15 : i32
    %sign3A_17 = arith.extui %sign3A_16 : i1 to i32
    %sign3A_18 = arith.constant 0 : i32
    %sign3A_19 = arith.cmpi slt, %jit3A, %sign3A_18 : i32
    %sign3A_20 = arith.extui %sign3A_19 : i1 to i32
    %sign3A_21 = arith.subi %sign3A_17, %sign3A_20 : i32
    %ne3A = vector.broadcast %sign3A_21 : i32 to vector<16xi32>
    %ne3A_22 = arith.cmpi ne, %sign3A_14, %ne3A : vector<16xi32>
    %rem3A = vector.broadcast %jit3A : i32 to vector<16xi32>
    %rem3A_23 = arith.remsi %add3A_5, %rem3A : vector<16xi32>
    %ne3A_24 = arith.constant 0 : i32
    %ne3A_25 = vector.broadcast %ne3A_24 : i32 to vector<16xi32>
    %ne3A_26 = arith.cmpi ne, %rem3A_23, %ne3A_25 : vector<16xi32>
    %and3A = arith.andi %ne3A_22, %ne3A_26 : vector<16xi1>
    %sub3A = arith.constant 1 : i32
    %sub3A_27 = vector.broadcast %sub3A : i32 to vector<16xi32>
    %sub3A_28 = arith.subi %div3A_6, %sub3A_27 : vector<16xi32>
    %select_n3A = arith.select %and3A, %sub3A_28, %div3A_6 : vector<16xi1>, vector<16xi32>
    %add3A_29 = arith.constant 16 : i32
    %add3A_30 = vector.broadcast %add3A_29 : i32 to vector<16xi32>
    %add3A_31 = arith.addi %add3A_30, %iota3A : vector<16xi32>
    %jit3A_32 = arith.constant 8 : i32
    %div3A_33 = vector.broadcast %jit3A_32 : i32 to vector<16xi32>
    %div3A_34 = arith.divsi %add3A_31, %div3A_33 : vector<16xi32>
    %sign3A_35 = arith.constant 0 : i32
    %sign3A_36 = vector.broadcast %sign3A_35 : i32 to vector<16xi32>
    %sign3A_37 = arith.cmpi sgt, %add3A_31, %sign3A_36 : vector<16xi32>
    %sign3A_38 = arith.extui %sign3A_37 : vector<16xi1> to vector<16xi32>
    %sign3A_39 = arith.constant 0 : i32
    %sign3A_40 = vector.broadcast %sign3A_39 : i32 to vector<16xi32>
    %sign3A_41 = arith.cmpi slt, %add3A_31, %sign3A_40 : vector<16xi32>
    %sign3A_42 = arith.extui %sign3A_41 : vector<16xi1> to vector<16xi32>
    %sign3A_43 = arith.subi %sign3A_38, %sign3A_42 : vector<16xi32>
    %sign3A_44 = arith.constant 0 : i32
    %sign3A_45 = arith.cmpi sgt, %jit3A_32, %sign3A_44 : i32
    %sign3A_46 = arith.extui %sign3A_45 : i1 to i32
    %sign3A_47 = arith.constant 0 : i32
    %sign3A_48 = arith.cmpi slt, %jit3A_32, %sign3A_47 : i32
    %sign3A_49 = arith.extui %sign3A_48 : i1 to i32
    %sign3A_50 = arith.subi %sign3A_46, %sign3A_49 : i32
    %ne3A_51 = vector.broadcast %sign3A_50 : i32 to vector<16xi32>
    %ne3A_52 = arith.cmpi ne, %sign3A_43, %ne3A_51 : vector<16xi32>
    %rem3A_53 = vector.broadcast %jit3A_32 : i32 to vector<16xi32>
    %rem3A_54 = arith.remsi %add3A_31, %rem3A_53 : vector<16xi32>
    %ne3A_55 = arith.constant 0 : i32
    %ne3A_56 = vector.broadcast %ne3A_55 : i32 to vector<16xi32>
    %ne3A_57 = arith.cmpi ne, %rem3A_54, %ne3A_56 : vector<16xi32>
    %and3A_58 = arith.andi %ne3A_52, %ne3A_57 : vector<16xi1>
    %sub3A_59 = arith.constant 1 : i32
    %sub3A_60 = vector.broadcast %sub3A_59 : i32 to vector<16xi32>
    %sub3A_61 = arith.subi %div3A_34, %sub3A_60 : vector<16xi32>
    %select_n3A_62 = arith.select %and3A_58, %sub3A_61, %div3A_34 : vector<16xi1>, vector<16xi32>
    %add3A_63 = arith.constant 0 : i32
    %add3A_64 = vector.broadcast %add3A_63 : i32 to vector<16xi32>
    %add3A_65 = arith.addi %add3A_64, %iota3A : vector<16xi32>
    %jit3A_66 = arith.constant 8 : i32
    %eq3A = arith.constant 0 : i32
    %eq3A_67 = arith.cmpi eq, %jit3A_66, %eq3A : i32
    %jit3A_68 = arith.constant 1 : i32
    %select_n3A_69 = arith.select %eq3A_67, %jit3A_68, %jit3A_66 : i32
    %rem3A_70 = vector.broadcast %select_n3A_69 : i32 to vector<16xi32>
    %rem3A_71 = arith.remsi %add3A_65, %rem3A_70 : vector<16xi32>
    %ne3A_72 = arith.constant 0 : i32
    %ne3A_73 = vector.broadcast %ne3A_72 : i32 to vector<16xi32>
    %ne3A_74 = arith.cmpi ne, %rem3A_71, %ne3A_73 : vector<16xi32>
    %lt3A = arith.constant 0 : i32
    %lt3A_75 = vector.broadcast %lt3A : i32 to vector<16xi32>
    %lt3A_76 = arith.cmpi slt, %rem3A_71, %lt3A_75 : vector<16xi32>
    %lt3A_77 = arith.constant 0 : i32
    %lt3A_78 = arith.cmpi slt, %select_n3A_69, %lt3A_77 : i32
    %ne3A_79 = vector.broadcast %lt3A_78 : i1 to vector<16xi1>
    %ne3A_80 = vector.broadcast %ne3A_79 : vector<16xi1> to vector<16xi1>
    %ne3A_81 = arith.xori %lt3A_76, %ne3A_80 : vector<16xi1>
    %and3A_82 = arith.andi %ne3A_81, %ne3A_74 : vector<16xi1>
    %add3A_83 = vector.broadcast %select_n3A_69 : i32 to vector<16xi32>
    %add3A_84 = arith.addi %rem3A_71, %add3A_83 : vector<16xi32>
    %select_n3A_85 = arith.select %and3A_82, %add3A_84, %rem3A_71 : vector<16xi1>, vector<16xi32>
    %add3A_86 = arith.constant 16 : i32
    %add3A_87 = vector.broadcast %add3A_86 : i32 to vector<16xi32>
    %add3A_88 = arith.addi %add3A_87, %iota3A : vector<16xi32>
    %jit3A_89 = arith.constant 8 : i32
    %eq3A_90 = arith.constant 0 : i32
    %eq3A_91 = arith.cmpi eq, %jit3A_89, %eq3A_90 : i32
    %jit3A_92 = arith.constant 1 : i32
    %select_n3A_93 = arith.select %eq3A_91, %jit3A_92, %jit3A_89 : i32
    %rem3A_94 = vector.broadcast %select_n3A_93 : i32 to vector<16xi32>
    %rem3A_95 = arith.remsi %add3A_88, %rem3A_94 : vector<16xi32>
    %ne3A_96 = arith.constant 0 : i32
    %ne3A_97 = vector.broadcast %ne3A_96 : i32 to vector<16xi32>
    %ne3A_98 = arith.cmpi ne, %rem3A_95, %ne3A_97 : vector<16xi32>
    %lt3A_99 = arith.constant 0 : i32
    %lt3A_100 = vector.broadcast %lt3A_99 : i32 to vector<16xi32>
    %lt3A_101 = arith.cmpi slt, %rem3A_95, %lt3A_100 : vector<16xi32>
    %lt3A_102 = arith.constant 0 : i32
    %lt3A_103 = arith.cmpi slt, %select_n3A_93, %lt3A_102 : i32
    %ne3A_104 = vector.broadcast %lt3A_103 : i1 to vector<16xi1>
    %ne3A_105 = vector.broadcast %ne3A_104 : vector<16xi1> to vector<16xi1>
    %ne3A_106 = arith.xori %lt3A_101, %ne3A_105 : vector<16xi1>
    %and3A_107 = arith.andi %ne3A_106, %ne3A_98 : vector<16xi1>
    %add3A_108 = vector.broadcast %select_n3A_93 : i32 to vector<16xi32>
    %add3A_109 = arith.addi %rem3A_95, %add3A_108 : vector<16xi32>
    %select_n3A_110 = arith.select %and3A_107, %add3A_109, %rem3A_95 : vector<16xi1>, vector<16xi32>
    %add3A_111 = arith.constant 0 : i32
    %add3A_112 = arith.addi %mul3A_2, %add3A_111 : i32
    %jit3A_113 = arith.constant 32 : i32
    %div3A_114 = arith.divsi %add3A_112, %jit3A_113 : i32
    %sign3A_115 = arith.constant 0 : i32
    %sign3A_116 = arith.cmpi sgt, %add3A_112, %sign3A_115 : i32
    %sign3A_117 = arith.extui %sign3A_116 : i1 to i32
    %sign3A_118 = arith.constant 0 : i32
    %sign3A_119 = arith.cmpi slt, %add3A_112, %sign3A_118 : i32
    %sign3A_120 = arith.extui %sign3A_119 : i1 to i32
    %sign3A_121 = arith.subi %sign3A_117, %sign3A_120 : i32
    %sign3A_122 = arith.constant 0 : i32
    %sign3A_123 = arith.cmpi sgt, %jit3A_113, %sign3A_122 : i32
    %sign3A_124 = arith.extui %sign3A_123 : i1 to i32
    %sign3A_125 = arith.constant 0 : i32
    %sign3A_126 = arith.cmpi slt, %jit3A_113, %sign3A_125 : i32
    %sign3A_127 = arith.extui %sign3A_126 : i1 to i32
    %sign3A_128 = arith.subi %sign3A_124, %sign3A_127 : i32
    %ne3A_129 = arith.cmpi ne, %sign3A_121, %sign3A_128 : i32
    %rem3A_130 = arith.remsi %add3A_112, %jit3A_113 : i32
    %ne3A_131 = arith.constant 0 : i32
    %ne3A_132 = arith.cmpi ne, %rem3A_130, %ne3A_131 : i32
    %and3A_133 = arith.andi %ne3A_129, %ne3A_132 : i1
    %sub3A_134 = arith.constant 1 : i32
    %sub3A_135 = arith.subi %div3A_114, %sub3A_134 : i32
    %select_n3A_136 = arith.select %and3A_133, %sub3A_135, %div3A_114 : i32
    %jit3A_137 = arith.constant 32 : i32
    %eq3A_138 = arith.constant 0 : i32
    %eq3A_139 = arith.cmpi eq, %jit3A_137, %eq3A_138 : i32
    %jit3A_140 = arith.constant 1 : i32
    %select_n3A_141 = arith.select %eq3A_139, %jit3A_140, %jit3A_137 : i32
    %rem3A_142 = arith.remsi %add3A_112, %select_n3A_141 : i32
    %ne3A_143 = arith.constant 0 : i32
    %ne3A_144 = arith.cmpi ne, %rem3A_142, %ne3A_143 : i32
    %lt3A_145 = arith.constant 0 : i32
    %lt3A_146 = arith.cmpi slt, %rem3A_142, %lt3A_145 : i32
    %lt3A_147 = arith.constant 0 : i32
    %lt3A_148 = arith.cmpi slt, %select_n3A_141, %lt3A_147 : i32
    %ne3A_149 = arith.xori %lt3A_146, %lt3A_148 : i1
    %and3A_150 = arith.andi %ne3A_149, %ne3A_144 : i1
    %add3A_151 = arith.addi %rem3A_142, %select_n3A_141 : i32
    %select_n3A_152 = arith.select %and3A_150, %add3A_151, %rem3A_142 : i32
    %mul3A_153 = arith.constant 512 : i32
    %mul3A_154 = arith.muli %select_n3A_152, %mul3A_153 : i32
    %mul3A_155 = arith.constant 16384 : i32
    %mul3A_156 = arith.muli %select_n3A_136, %mul3A_155 : i32
    %add3A_157 = arith.addi %mul3A_156, %mul3A_154 : i32
    %run_scoped3A = arith.constant 0 : i32
    "tpu.region"() ({
      %run_scoped3A_228 = tpu.sem_alloc : memref<!tpu.dma_semaphore, #tpu.memory_space<semaphore_mem>>
      %dma_start3A_229 = arith.constant 0 : i32
      %dma_start3A_230 = tpu.memref_slice %arg5[%run_scoped3A, %dma_start3A_229] : memref<2x512xi32, #tpu.memory_space<vmem>> -> memref<1x512xi32, #tpu.memory_space<vmem>>
      %dma_start3A_231 = tpu.memref_squeeze %dma_start3A_230 : memref<1x512xi32, #tpu.memory_space<vmem>> -> memref<512xi32, #tpu.memory_space<vmem>>
      %dma_start3A_232 = tpu.memref_slice %arg2[%add3A_157] : memref<3276800xi32, #tpu.memory_space<hbm>> -> memref<512xi32, #tpu.memory_space<hbm>>
      %dma_start3A_233 = arith.constant 0 : i32
      %dma_start3A_234 = tpu.memref_slice %arg5[%run_scoped3A, %dma_start3A_233] : memref<2x512xi32, #tpu.memory_space<vmem>> -> memref<1x512xi32, #tpu.memory_space<vmem>>
      %dma_start3A_235 = tpu.memref_squeeze %dma_start3A_234 : memref<1x512xi32, #tpu.memory_space<vmem>> -> memref<512xi32, #tpu.memory_space<vmem>>
      %dma_start3A_236 = tpu.memref_slice %arg2[%add3A_157] : memref<3276800xi32, #tpu.memory_space<hbm>> -> memref<512xi32, #tpu.memory_space<hbm>>
      tpu.enqueue_dma source(%dma_start3A_236 : memref<512xi32, #tpu.memory_space<hbm>>) target(%dma_start3A_235 : memref<512xi32, #tpu.memory_space<vmem>>) target_semaphore(%run_scoped3A_228 : memref<!tpu.dma_semaphore, #tpu.memory_space<semaphore_mem>>)
      %dma_wait3A_237 = arith.constant 0 : i32
      %dma_wait3A_238 = tpu.memref_slice %arg5[%run_scoped3A, %dma_wait3A_237] : memref<2x512xi32, #tpu.memory_space<vmem>> -> memref<1x512xi32, #tpu.memory_space<vmem>>
      %dma_wait3A_239 = tpu.memref_squeeze %dma_wait3A_238 : memref<1x512xi32, #tpu.memory_space<vmem>> -> memref<512xi32, #tpu.memory_space<vmem>>
      %dma_wait3A_240 = tpu.memref_slice %arg2[%add3A_157] : memref<3276800xi32, #tpu.memory_space<hbm>> -> memref<512xi32, #tpu.memory_space<hbm>>
      %dma_wait3A_241 = arith.constant 0 : i32
      %dma_wait3A_242 = tpu.memref_slice %arg5[%run_scoped3A, %dma_wait3A_241] : memref<2x512xi32, #tpu.memory_space<vmem>> -> memref<1x512xi32, #tpu.memory_space<vmem>>
      %dma_wait3A_243 = tpu.memref_squeeze %dma_wait3A_242 : memref<1x512xi32, #tpu.memory_space<vmem>> -> memref<512xi32, #tpu.memory_space<vmem>>
      %dma_wait3A_244 = tpu.memref_slice %arg2[%add3A_157] : memref<3276800xi32, #tpu.memory_space<hbm>> -> memref<512xi32, #tpu.memory_space<hbm>>
      tpu.wait_dma2 semaphore(%run_scoped3A_228 : memref<!tpu.dma_semaphore, #tpu.memory_space<semaphore_mem>>) src(%dma_wait3A_244 : memref<512xi32, #tpu.memory_space<hbm>>) dst(%dma_wait3A_243 : memref<512xi32, #tpu.memory_space<vmem>>)
      tpu.yield
    }) : () -> ()
    %parallel_loop3A = arith.constant 0 : i32
    %parallel_loop3A_158 = arith.constant 32 : i32
    %parallel_loop3A_159 = arith.constant 1 : i32
    scf.for %parallel_loop3A_228 = %parallel_loop3A to %parallel_loop3A_158 step %parallel_loop3A_159  : i32 {
      %parallel_loop3A_229 = arith.constant 16 : i32
      %parallel_loop3A_230 = arith.muli %parallel_loop3A_228, %parallel_loop3A_229 : i32
      %parallel_loop3A_231 = arith.constant 0 : i32
      %parallel_loop3A_232 = arith.index_cast %parallel_loop3A_231 : i32 to index
      %parallel_loop3A_233 = arith.index_cast %parallel_loop3A_230 : i32 to index
      %parallel_loop3A_234 = tpu.vector_load %arg5[%parallel_loop3A_232, %parallel_loop3A_233] {strides = array<i32>} : memref<2x512xi32, #tpu.memory_space<vmem>>, vector<16xi32>,
      %parallel_loop3A_235 = arith.constant 4 : i32
      %parallel_loop3A_236 = vector.broadcast %parallel_loop3A_235 : i32 to vector<16xi32>
      %parallel_loop3A_237 = arith.muli %parallel_loop3A_234, %parallel_loop3A_236 : vector<16xi32>
      %parallel_loop3A_238 = arith.constant 16 : i32
      %parallel_loop3A_239 = arith.muli %parallel_loop3A_228, %parallel_loop3A_238 : i32
      %parallel_loop3A_240 = arith.constant 0 : i32
      %parallel_loop3A_241 = arith.index_cast %parallel_loop3A_240 : i32 to index
      %parallel_loop3A_242 = arith.index_cast %parallel_loop3A_239 : i32 to index
      %parallel_loop3A_243 = tpu.vector_load %arg5[%parallel_loop3A_241, %parallel_loop3A_242] {strides = array<i32>} : memref<2x512xi32, #tpu.memory_space<vmem>>, vector<16xi32>,
      tpu.vector_store %arg5[%parallel_loop3A_241, %parallel_loop3A_242], %parallel_loop3A_237 {strides = array<i32>} : memref<2x512xi32, #tpu.memory_space<vmem>>, vector<16xi32>,
    } {sc.loop_unroll_factor = 8 : i64, sc.parallel_access}
    %dma_start3A = arith.constant 0 : i32
    %dma_start3A_160 = arith.constant 0 : i32
    %dma_start3A_161 = arith.constant 0 : i32
    %dma_start3A_162 = arith.constant 0 : i32
    %dma_start3A_163 = tpu.memref_slice %arg6[%dma_start3A_160, %dma_start3A_161, %dma_start3A_162] : memref<2x512x32xf32, #tpu.memory_space<vmem>> -> memref<1x512x32xf32, #tpu.memory_space<vmem>>
    %dma_start3A_164 = tpu.memref_squeeze %dma_start3A_163 : memref<1x512x32xf32, #tpu.memory_space<vmem>> -> memref<512x32xf32, #tpu.memory_space<vmem>>
    %dma_start3A_165 = arith.constant 0 : i32
    %dma_start3A_166 = tpu.memref_slice %arg5[%dma_start3A, %dma_start3A_165] : memref<2x512xi32, #tpu.memory_space<vmem>> -> memref<1x512xi32, #tpu.memory_space<vmem>>
    %dma_start3A_167 = tpu.memref_squeeze %dma_start3A_166 : memref<1x512xi32, #tpu.memory_space<vmem>> -> memref<512xi32, #tpu.memory_space<vmem>>
    %dma_start3A_168 = arith.constant 0 : i32
    %dma_start3A_169 = arith.constant 0 : i32
    %dma_start3A_170 = tpu.memref_slice %arg3[%dma_start3A_168, %dma_start3A_169] : memref<4000000x32xf32, #tpu.memory_space<hbm>> -> memref<4000000x32xf32, #tpu.memory_space<hbm>>
    tpu.enqueue_indirect_dma source(%dma_start3A_170 : memref<4000000x32xf32, #tpu.memory_space<hbm>>) target(%dma_start3A_164 : memref<512x32xf32, #tpu.memory_space<vmem>>) offsets(%dma_start3A_167 : memref<512xi32, #tpu.memory_space<vmem>>) semaphore(%arg8 : memref<!tpu.dma_semaphore, #tpu.memory_space<semaphore_mem>>)
    %scan3A = arith.constant 0 : i32
    %scan3A_171 = arith.constant 0 : i32
    %scan3A_172 = arith.constant 100 : i32
    %scan3A_173 = arith.addi %scan3A_171, %scan3A_172 : i32
    %scan3A_174 = arith.constant 1 : i32
    %scan3A_175 = scf.for %scan3A_228 = %scan3A_171 to %scan3A_173 step %scan3A_174 iter_args(%scan3A_229 = %scan3A) -> (i32)  : i32 {
      %mul3A_230 = arith.constant 2 : i32
      %mul3A_231 = arith.muli %mul3A_230, %scan3A_228 : i32
      %gt3A = arith.constant 0 : i32
      %gt3A_232 = arith.cmpi sgt, %scan3A_228, %gt3A : i32
      %convert_element_type3A = arith.extui %gt3A_232 : i1 to i32
      %cond3A = arith.constant 0 : i32
      %cond3A_233 = arith.cmpi ne, %convert_element_type3A, %cond3A : i32
      scf.if %cond3A_233 {
        %dma_wait3A_521 = arith.constant 1 : i32
        %dma_wait3A_522 = arith.constant 0 : i32
        %dma_wait3A_523 = arith.constant 0 : i32
        %dma_wait3A_524 = arith.constant 0 : i32
        %dma_wait3A_525 = arith.constant 0 : i32
        %dma_wait3A_526 = arith.constant 0 : i32
        %dma_wait3A_527 = tpu.memref_slice %arg7[%dma_wait3A_521, %dma_wait3A_523, %dma_wait3A_524, %dma_wait3A_525, %dma_wait3A_526] : memref<2x4x5x8x129xf32, #tpu.memory_space<vmem>> -> memref<1x4x4x8x128xf32, #tpu.memory_space<vmem>>
        %dma_wait3A_528 = tpu.memref_squeeze %dma_wait3A_527 : memref<1x4x4x8x128xf32, #tpu.memory_space<vmem>> -> memref<4x4x8x128xf32, #tpu.memory_space<vmem>>
        %dma_wait3A_529 = arith.constant 0 : i32
        %dma_wait3A_530 = arith.constant 0 : i32
        %dma_wait3A_531 = arith.constant 0 : i32
        %dma_wait3A_532 = arith.constant 0 : i32
        %dma_wait3A_533 = tpu.memref_slice %arg4[%dma_wait3A_522, %dma_wait3A_529, %dma_wait3A_530, %dma_wait3A_531, %dma_wait3A_532] : memref<200x4x128x8x128xf32, #tpu.memory_space<hbm>> -> memref<1x4x4x8x128xf32, #tpu.memory_space<hbm>>
        %dma_wait3A_534 = tpu.memref_squeeze %dma_wait3A_533 : memref<1x4x4x8x128xf32, #tpu.memory_space<hbm>> -> memref<4x4x8x128xf32, #tpu.memory_space<hbm>>
        %dma_wait3A_535 = arith.constant 0 : i32
        %dma_wait3A_536 = arith.constant 0 : i32
        %dma_wait3A_537 = arith.constant 0 : i32
        %dma_wait3A_538 = arith.constant 0 : i32
        %dma_wait3A_539 = tpu.memref_slice %arg4[%dma_wait3A_522, %dma_wait3A_535, %dma_wait3A_536, %dma_wait3A_537, %dma_wait3A_538] : memref<200x4x128x8x128xf32, #tpu.memory_space<hbm>> -> memref<1x4x4x8x128xf32, #tpu.memory_space<hbm>>
        %dma_wait3A_540 = tpu.memref_squeeze %dma_wait3A_539 : memref<1x4x4x8x128xf32, #tpu.memory_space<hbm>> -> memref<4x4x8x128xf32, #tpu.memory_space<hbm>>
        %dma_wait3A_541 = arith.constant 0 : i32
        %dma_wait3A_542 = arith.constant 0 : i32
        %dma_wait3A_543 = arith.constant 0 : i32
        %dma_wait3A_544 = arith.constant 0 : i32
        %dma_wait3A_545 = tpu.memref_slice %arg7[%dma_wait3A_521, %dma_wait3A_541, %dma_wait3A_542, %dma_wait3A_543, %dma_wait3A_544] : memref<2x4x5x8x129xf32, #tpu.memory_space<vmem>> -> memref<1x4x4x8x128xf32, #tpu.memory_space<vmem>>
        %dma_wait3A_546 = tpu.memref_squeeze %dma_wait3A_545 : memref<1x4x4x8x128xf32, #tpu.memory_space<vmem>> -> memref<4x4x8x128xf32, #tpu.memory_space<vmem>>
        tpu.wait_dma2 semaphore(%arg11 : memref<!tpu.dma_semaphore, #tpu.memory_space<semaphore_mem>>) src(%dma_wait3A_546 : memref<4x4x8x128xf32, #tpu.memory_space<vmem>>) dst(%dma_wait3A_540 : memref<4x4x8x128xf32, #tpu.memory_space<hbm>>)
      } else {
      }
      %add3A_234 = arith.constant 1 : i32
      %add3A_235 = arith.addi %mul3A_231, %add3A_234 : i32
      %add3A_236 = arith.addi %mul3A_2, %add3A_235 : i32
      %jit3A_237 = arith.constant 32 : i32
      %div3A_238 = arith.divsi %add3A_236, %jit3A_237 : i32
      %sign3A_239 = arith.constant 0 : i32
      %sign3A_240 = arith.cmpi sgt, %add3A_236, %sign3A_239 : i32
      %sign3A_241 = arith.extui %sign3A_240 : i1 to i32
      %sign3A_242 = arith.constant 0 : i32
      %sign3A_243 = arith.cmpi slt, %add3A_236, %sign3A_242 : i32
      %sign3A_244 = arith.extui %sign3A_243 : i1 to i32
      %sign3A_245 = arith.subi %sign3A_241, %sign3A_244 : i32
      %sign3A_246 = arith.constant 0 : i32
      %sign3A_247 = arith.cmpi sgt, %jit3A_237, %sign3A_246 : i32
      %sign3A_248 = arith.extui %sign3A_247 : i1 to i32
      %sign3A_249 = arith.constant 0 : i32
      %sign3A_250 = arith.cmpi slt, %jit3A_237, %sign3A_249 : i32
      %sign3A_251 = arith.extui %sign3A_250 : i1 to i32
      %sign3A_252 = arith.subi %sign3A_248, %sign3A_251 : i32
      %ne3A_253 = arith.cmpi ne, %sign3A_245, %sign3A_252 : i32
      %rem3A_254 = arith.remsi %add3A_236, %jit3A_237 : i32
      %ne3A_255 = arith.constant 0 : i32
      %ne3A_256 = arith.cmpi ne, %rem3A_254, %ne3A_255 : i32
      %and3A_257 = arith.andi %ne3A_253, %ne3A_256 : i1
      %sub3A_258 = arith.constant 1 : i32
      %sub3A_259 = arith.subi %div3A_238, %sub3A_258 : i32
      %select_n3A_260 = arith.select %and3A_257, %sub3A_259, %div3A_238 : i32
      %jit3A_261 = arith.constant 32 : i32
      %eq3A_262 = arith.constant 0 : i32
      %eq3A_263 = arith.cmpi eq, %jit3A_261, %eq3A_262 : i32
      %jit3A_264 = arith.constant 1 : i32
      %select_n3A_265 = arith.select %eq3A_263, %jit3A_264, %jit3A_261 : i32
      %rem3A_266 = arith.remsi %add3A_236, %select_n3A_265 : i32
      %ne3A_267 = arith.constant 0 : i32
      %ne3A_268 = arith.cmpi ne, %rem3A_266, %ne3A_267 : i32
      %lt3A_269 = arith.constant 0 : i32
      %lt3A_270 = arith.cmpi slt, %rem3A_266, %lt3A_269 : i32
      %lt3A_271 = arith.constant 0 : i32
      %lt3A_272 = arith.cmpi slt, %select_n3A_265, %lt3A_271 : i32
      %ne3A_273 = arith.xori %lt3A_270, %lt3A_272 : i1
      %and3A_274 = arith.andi %ne3A_273, %ne3A_268 : i1
      %add3A_275 = arith.addi %rem3A_266, %select_n3A_265 : i32
      %select_n3A_276 = arith.select %and3A_274, %add3A_275, %rem3A_266 : i32
      %mul3A_277 = arith.constant 512 : i32
      %mul3A_278 = arith.muli %select_n3A_276, %mul3A_277 : i32
      %mul3A_279 = arith.constant 16384 : i32
      %mul3A_280 = arith.muli %select_n3A_260, %mul3A_279 : i32
      %add3A_281 = arith.addi %mul3A_280, %mul3A_278 : i32
      %run_scoped3A_282 = arith.constant 1 : i32
      "tpu.region"() ({
        %run_scoped3A_521 = tpu.sem_alloc : memref<!tpu.dma_semaphore, #tpu.memory_space<semaphore_mem>>
        %dma_start3A_522 = arith.constant 0 : i32
        %dma_start3A_523 = tpu.memref_slice %arg5[%run_scoped3A_282, %dma_start3A_522] : memref<2x512xi32, #tpu.memory_space<vmem>> -> memref<1x512xi32, #tpu.memory_space<vmem>>
        %dma_start3A_524 = tpu.memref_squeeze %dma_start3A_523 : memref<1x512xi32, #tpu.memory_space<vmem>> -> memref<512xi32, #tpu.memory_space<vmem>>
        %dma_start3A_525 = tpu.memref_slice %arg2[%add3A_281] : memref<3276800xi32, #tpu.memory_space<hbm>> -> memref<512xi32, #tpu.memory_space<hbm>>
        %dma_start3A_526 = arith.constant 0 : i32
        %dma_start3A_527 = tpu.memref_slice %arg5[%run_scoped3A_282, %dma_start3A_526] : memref<2x512xi32, #tpu.memory_space<vmem>> -> memref<1x512xi32, #tpu.memory_space<vmem>>
        %dma_start3A_528 = tpu.memref_squeeze %dma_start3A_527 : memref<1x512xi32, #tpu.memory_space<vmem>> -> memref<512xi32, #tpu.memory_space<vmem>>
        %dma_start3A_529 = tpu.memref_slice %arg2[%add3A_281] : memref<3276800xi32, #tpu.memory_space<hbm>> -> memref<512xi32, #tpu.memory_space<hbm>>
        tpu.enqueue_dma source(%dma_start3A_529 : memref<512xi32, #tpu.memory_space<hbm>>) target(%dma_start3A_528 : memref<512xi32, #tpu.memory_space<vmem>>) target_semaphore(%run_scoped3A_521 : memref<!tpu.dma_semaphore, #tpu.memory_space<semaphore_mem>>)
        %dma_wait3A_530 = arith.constant 0 : i32
        %dma_wait3A_531 = tpu.memref_slice %arg5[%run_scoped3A_282, %dma_wait3A_530] : memref<2x512xi32, #tpu.memory_space<vmem>> -> memref<1x512xi32, #tpu.memory_space<vmem>>
        %dma_wait3A_532 = tpu.memref_squeeze %dma_wait3A_531 : memref<1x512xi32, #tpu.memory_space<vmem>> -> memref<512xi32, #tpu.memory_space<vmem>>
        %dma_wait3A_533 = tpu.memref_slice %arg2[%add3A_281] : memref<3276800xi32, #tpu.memory_space<hbm>> -> memref<512xi32, #tpu.memory_space<hbm>>
        %dma_wait3A_534 = arith.constant 0 : i32
        %dma_wait3A_535 = tpu.memref_slice %arg5[%run_scoped3A_282, %dma_wait3A_534] : memref<2x512xi32, #tpu.memory_space<vmem>> -> memref<1x512xi32, #tpu.memory_space<vmem>>
        %dma_wait3A_536 = tpu.memref_squeeze %dma_wait3A_535 : memref<1x512xi32, #tpu.memory_space<vmem>> -> memref<512xi32, #tpu.memory_space<vmem>>
        %dma_wait3A_537 = tpu.memref_slice %arg2[%add3A_281] : memref<3276800xi32, #tpu.memory_space<hbm>> -> memref<512xi32, #tpu.memory_space<hbm>>
        tpu.wait_dma2 semaphore(%run_scoped3A_521 : memref<!tpu.dma_semaphore, #tpu.memory_space<semaphore_mem>>) src(%dma_wait3A_537 : memref<512xi32, #tpu.memory_space<hbm>>) dst(%dma_wait3A_536 : memref<512xi32, #tpu.memory_space<vmem>>)
        tpu.yield
      }) : () -> ()
      %parallel_loop3A_283 = arith.constant 0 : i32
      %parallel_loop3A_284 = arith.constant 32 : i32
      %parallel_loop3A_285 = arith.constant 1 : i32
      scf.for %parallel_loop3A_521 = %parallel_loop3A_283 to %parallel_loop3A_284 step %parallel_loop3A_285  : i32 {
        %parallel_loop3A_522 = arith.constant 16 : i32
        %parallel_loop3A_523 = arith.muli %parallel_loop3A_521, %parallel_loop3A_522 : i32
        %parallel_loop3A_524 = arith.constant 1 : i32
        %parallel_loop3A_525 = arith.index_cast %parallel_loop3A_524 : i32 to index
        %parallel_loop3A_526 = arith.index_cast %parallel_loop3A_523 : i32 to index
        %parallel_loop3A_527 = tpu.vector_load %arg5[%parallel_loop3A_525, %parallel_loop3A_526] {strides = array<i32>} : memref<2x512xi32, #tpu.memory_space<vmem>>, vector<16xi32>,
        %parallel_loop3A_528 = arith.constant 4 : i32
        %parallel_loop3A_529 = vector.broadcast %parallel_loop3A_528 : i32 to vector<16xi32>
        %parallel_loop3A_530 = arith.muli %parallel_loop3A_527, %parallel_loop3A_529 : vector<16xi32>
        %parallel_loop3A_531 = arith.constant 16 : i32
        %parallel_loop3A_532 = arith.muli %parallel_loop3A_521, %parallel_loop3A_531 : i32
        %parallel_loop3A_533 = arith.constant 1 : i32
        %parallel_loop3A_534 = arith.index_cast %parallel_loop3A_533 : i32 to index
        %parallel_loop3A_535 = arith.index_cast %parallel_loop3A_532 : i32 to index
        %parallel_loop3A_536 = tpu.vector_load %arg5[%parallel_loop3A_534, %parallel_loop3A_535] {strides = array<i32>} : memref<2x512xi32, #tpu.memory_space<vmem>>, vector<16xi32>,
        tpu.vector_store %arg5[%parallel_loop3A_534, %parallel_loop3A_535], %parallel_loop3A_530 {strides = array<i32>} : memref<2x512xi32, #tpu.memory_space<vmem>>, vector<16xi32>,
      } {sc.loop_unroll_factor = 8 : i64, sc.parallel_access}
      %dma_start3A_286 = arith.constant 1 : i32
      %dma_start3A_287 = arith.constant 1 : i32
      %dma_start3A_288 = arith.constant 0 : i32
      %dma_start3A_289 = arith.constant 0 : i32
      %dma_start3A_290 = tpu.memref_slice %arg6[%dma_start3A_287, %dma_start3A_288, %dma_start3A_289] : memref<2x512x32xf32, #tpu.memory_space<vmem>> -> memref<1x512x32xf32, #tpu.memory_space<vmem>>
      %dma_start3A_291 = tpu.memref_squeeze %dma_start3A_290 : memref<1x512x32xf32, #tpu.memory_space<vmem>> -> memref<512x32xf32, #tpu.memory_space<vmem>>
      %dma_start3A_292 = arith.constant 0 : i32
      %dma_start3A_293 = tpu.memref_slice %arg5[%dma_start3A_286, %dma_start3A_292] : memref<2x512xi32, #tpu.memory_space<vmem>> -> memref<1x512xi32, #tpu.memory_space<vmem>>
      %dma_start3A_294 = tpu.memref_squeeze %dma_start3A_293 : memref<1x512xi32, #tpu.memory_space<vmem>> -> memref<512xi32, #tpu.memory_space<vmem>>
      %dma_start3A_295 = arith.constant 0 : i32
      %dma_start3A_296 = arith.constant 0 : i32
      %dma_start3A_297 = tpu.memref_slice %arg3[%dma_start3A_295, %dma_start3A_296] : memref<4000000x32xf32, #tpu.memory_space<hbm>> -> memref<4000000x32xf32, #tpu.memory_space<hbm>>
      tpu.enqueue_indirect_dma source(%dma_start3A_297 : memref<4000000x32xf32, #tpu.memory_space<hbm>>) target(%dma_start3A_291 : memref<512x32xf32, #tpu.memory_space<vmem>>) offsets(%dma_start3A_294 : memref<512xi32, #tpu.memory_space<vmem>>) semaphore(%arg9 : memref<!tpu.dma_semaphore, #tpu.memory_space<semaphore_mem>>)
      %dma_wait3A_298 = arith.constant 0 : i32
      %dma_wait3A_299 = arith.constant 0 : i32
      %dma_wait3A_300 = arith.constant 0 : i32
      %dma_wait3A_301 = arith.constant 0 : i32
      %dma_wait3A_302 = tpu.memref_slice %arg6[%dma_wait3A_299, %dma_wait3A_300, %dma_wait3A_301] : memref<2x512x32xf32, #tpu.memory_space<vmem>> -> memref<1x512x32xf32, #tpu.memory_space<vmem>>
      %dma_wait3A_303 = tpu.memref_squeeze %dma_wait3A_302 : memref<1x512x32xf32, #tpu.memory_space<vmem>> -> memref<512x32xf32, #tpu.memory_space<vmem>>
      %dma_wait3A_304 = arith.constant 0 : i32
      %dma_wait3A_305 = tpu.memref_slice %arg5[%dma_wait3A_298, %dma_wait3A_304] : memref<2x512xi32, #tpu.memory_space<vmem>> -> memref<1x512xi32, #tpu.memory_space<vmem>>
      %dma_wait3A_306 = tpu.memref_squeeze %dma_wait3A_305 : memref<1x512xi32, #tpu.memory_space<vmem>> -> memref<512xi32, #tpu.memory_space<vmem>>
      %dma_wait3A_307 = arith.constant 0 : i32
      %dma_wait3A_308 = arith.constant 0 : i32
      %dma_wait3A_309 = tpu.memref_slice %arg3[%dma_wait3A_307, %dma_wait3A_308] : memref<4000000x32xf32, #tpu.memory_space<hbm>> -> memref<4000000x32xf32, #tpu.memory_space<hbm>>
      tpu.wait_indirect_dma semaphore(%arg8 : memref<!tpu.dma_semaphore, #tpu.memory_space<semaphore_mem>>) src(%dma_wait3A_309 : memref<4000000x32xf32, #tpu.memory_space<hbm>>) dst(%dma_wait3A_303 : memref<512x32xf32, #tpu.memory_space<vmem>>)
      %gt3A_310 = arith.constant 0 : i32
      %gt3A_311 = arith.cmpi sgt, %scan3A_228, %gt3A_310 : i32
      %convert_element_type3A_312 = arith.extui %gt3A_311 : i1 to i32
      %cond3A_313 = arith.constant 0 : i32
      %cond3A_314 = arith.cmpi ne, %convert_element_type3A_312, %cond3A_313 : i32
      scf.if %cond3A_314 {
        %dma_wait3A_521 = arith.constant 0 : i32
        %dma_wait3A_522 = arith.constant 0 : i32
        %dma_wait3A_523 = arith.constant 0 : i32
        %dma_wait3A_524 = arith.constant 0 : i32
        %dma_wait3A_525 = arith.constant 0 : i32
        %dma_wait3A_526 = arith.constant 0 : i32
        %dma_wait3A_527 = tpu.memref_slice %arg7[%dma_wait3A_521, %dma_wait3A_523, %dma_wait3A_524, %dma_wait3A_525, %dma_wait3A_526] : memref<2x4x5x8x129xf32, #tpu.memory_space<vmem>> -> memref<1x4x4x8x128xf32, #tpu.memory_space<vmem>>
        %dma_wait3A_528 = tpu.memref_squeeze %dma_wait3A_527 : memref<1x4x4x8x128xf32, #tpu.memory_space<vmem>> -> memref<4x4x8x128xf32, #tpu.memory_space<vmem>>
        %dma_wait3A_529 = arith.constant 0 : i32
        %dma_wait3A_530 = arith.constant 0 : i32
        %dma_wait3A_531 = arith.constant 0 : i32
        %dma_wait3A_532 = arith.constant 0 : i32
        %dma_wait3A_533 = tpu.memref_slice %arg4[%dma_wait3A_522, %dma_wait3A_529, %dma_wait3A_530, %dma_wait3A_531, %dma_wait3A_532] : memref<200x4x128x8x128xf32, #tpu.memory_space<hbm>> -> memref<1x4x4x8x128xf32, #tpu.memory_space<hbm>>
        %dma_wait3A_534 = tpu.memref_squeeze %dma_wait3A_533 : memref<1x4x4x8x128xf32, #tpu.memory_space<hbm>> -> memref<4x4x8x128xf32, #tpu.memory_space<hbm>>
        %dma_wait3A_535 = arith.constant 0 : i32
        %dma_wait3A_536 = arith.constant 0 : i32
        %dma_wait3A_537 = arith.constant 0 : i32
        %dma_wait3A_538 = arith.constant 0 : i32
        %dma_wait3A_539 = tpu.memref_slice %arg4[%dma_wait3A_522, %dma_wait3A_535, %dma_wait3A_536, %dma_wait3A_537, %dma_wait3A_538] : memref<200x4x128x8x128xf32, #tpu.memory_space<hbm>> -> memref<1x4x4x8x128xf32, #tpu.memory_space<hbm>>
        %dma_wait3A_540 = tpu.memref_squeeze %dma_wait3A_539 : memref<1x4x4x8x128xf32, #tpu.memory_space<hbm>> -> memref<4x4x8x128xf32, #tpu.memory_space<hbm>>
        %dma_wait3A_541 = arith.constant 0 : i32
        %dma_wait3A_542 = arith.constant 0 : i32
        %dma_wait3A_543 = arith.constant 0 : i32
        %dma_wait3A_544 = arith.constant 0 : i32
        %dma_wait3A_545 = tpu.memref_slice %arg7[%dma_wait3A_521, %dma_wait3A_541, %dma_wait3A_542, %dma_wait3A_543, %dma_wait3A_544] : memref<2x4x5x8x129xf32, #tpu.memory_space<vmem>> -> memref<1x4x4x8x128xf32, #tpu.memory_space<vmem>>
        %dma_wait3A_546 = tpu.memref_squeeze %dma_wait3A_545 : memref<1x4x4x8x128xf32, #tpu.memory_space<vmem>> -> memref<4x4x8x128xf32, #tpu.memory_space<vmem>>
        tpu.wait_dma2 semaphore(%arg10 : memref<!tpu.dma_semaphore, #tpu.memory_space<semaphore_mem>>) src(%dma_wait3A_546 : memref<4x4x8x128xf32, #tpu.memory_space<vmem>>) dst(%dma_wait3A_540 : memref<4x4x8x128xf32, #tpu.memory_space<hbm>>)
      } else {
      }
      %parallel_loop3A_315 = arith.constant 0 : i32
      %parallel_loop3A_316 = arith.constant 512 : i32
      %parallel_loop3A_317 = arith.constant 1 : i32
      scf.for %parallel_loop3A_521 = %parallel_loop3A_315 to %parallel_loop3A_316 step %parallel_loop3A_317  : i32 {
        %parallel_loop3A_522 = arith.constant 128 : i32
        %parallel_loop3A_523 = arith.divsi %parallel_loop3A_521, %parallel_loop3A_522 : i32
        %parallel_loop3A_524 = arith.constant 0 : i32
        %parallel_loop3A_525 = arith.cmpi sgt, %parallel_loop3A_521, %parallel_loop3A_524 : i32
        %parallel_loop3A_526 = arith.extui %parallel_loop3A_525 : i1 to i32
        %parallel_loop3A_527 = arith.constant 0 : i32
        %parallel_loop3A_528 = arith.cmpi slt, %parallel_loop3A_521, %parallel_loop3A_527 : i32
        %parallel_loop3A_529 = arith.extui %parallel_loop3A_528 : i1 to i32
        %parallel_loop3A_530 = arith.subi %parallel_loop3A_526, %parallel_loop3A_529 : i32
        %parallel_loop3A_531 = arith.constant 0 : i32
        %parallel_loop3A_532 = arith.cmpi sgt, %parallel_loop3A_522, %parallel_loop3A_531 : i32
        %parallel_loop3A_533 = arith.extui %parallel_loop3A_532 : i1 to i32
        %parallel_loop3A_534 = arith.constant 0 : i32
        %parallel_loop3A_535 = arith.cmpi slt, %parallel_loop3A_522, %parallel_loop3A_534 : i32
        %parallel_loop3A_536 = arith.extui %parallel_loop3A_535 : i1 to i32
        %parallel_loop3A_537 = arith.subi %parallel_loop3A_533, %parallel_loop3A_536 : i32
        %parallel_loop3A_538 = arith.cmpi ne, %parallel_loop3A_530, %parallel_loop3A_537 : i32
        %parallel_loop3A_539 = arith.remsi %parallel_loop3A_521, %parallel_loop3A_522 : i32
        %parallel_loop3A_540 = arith.constant 0 : i32
        %parallel_loop3A_541 = arith.cmpi ne, %parallel_loop3A_539, %parallel_loop3A_540 : i32
        %parallel_loop3A_542 = arith.andi %parallel_loop3A_538, %parallel_loop3A_541 : i1
        %parallel_loop3A_543 = arith.constant 1 : i32
        %parallel_loop3A_544 = arith.subi %parallel_loop3A_523, %parallel_loop3A_543 : i32
        %parallel_loop3A_545 = arith.select %parallel_loop3A_542, %parallel_loop3A_544, %parallel_loop3A_523 : i32
        %parallel_loop3A_546 = vector.broadcast %parallel_loop3A_545 : i32 to vector<16xi32>
        %parallel_loop3A_547 = arith.constant 128 : i32
        %parallel_loop3A_548 = arith.constant 0 : i32
        %parallel_loop3A_549 = arith.cmpi eq, %parallel_loop3A_547, %parallel_loop3A_548 : i32
        %parallel_loop3A_550 = arith.constant 1 : i32
        %parallel_loop3A_551 = arith.select %parallel_loop3A_549, %parallel_loop3A_550, %parallel_loop3A_547 : i32
        %parallel_loop3A_552 = arith.remsi %parallel_loop3A_521, %parallel_loop3A_551 : i32
        %parallel_loop3A_553 = arith.constant 0 : i32
        %parallel_loop3A_554 = arith.cmpi ne, %parallel_loop3A_552, %parallel_loop3A_553 : i32
        %parallel_loop3A_555 = arith.constant 0 : i32
        %parallel_loop3A_556 = arith.cmpi slt, %parallel_loop3A_552, %parallel_loop3A_555 : i32
        %parallel_loop3A_557 = arith.constant 0 : i32
        %parallel_loop3A_558 = arith.cmpi slt, %parallel_loop3A_551, %parallel_loop3A_557 : i32
        %parallel_loop3A_559 = arith.xori %parallel_loop3A_556, %parallel_loop3A_558 : i1
        %parallel_loop3A_560 = arith.andi %parallel_loop3A_559, %parallel_loop3A_554 : i1
        %parallel_loop3A_561 = arith.addi %parallel_loop3A_552, %parallel_loop3A_551 : i32
        %parallel_loop3A_562 = arith.select %parallel_loop3A_560, %parallel_loop3A_561, %parallel_loop3A_552 : i32
        %parallel_loop3A_563 = vector.broadcast %parallel_loop3A_562 : i32 to vector<16xi32>
        %parallel_loop3A_564 = arith.constant 0 : i32
        %parallel_loop3A_565 = arith.index_cast %parallel_loop3A_564 : i32 to index
        %parallel_loop3A_566 = arith.index_cast %parallel_loop3A_521 : i32 to index
        %parallel_loop3A_567 = arith.constant 0 : index
        %parallel_loop3A_568 = tpu.vector_load %arg6[%parallel_loop3A_565, %parallel_loop3A_566, %parallel_loop3A_567] {strides = array<i32>} : memref<2x512x32xf32, #tpu.memory_space<vmem>>, vector<16xf32>,
        %parallel_loop3A_569 = arith.constant 0 : i32
        %parallel_loop3A_570 = arith.constant 0 : i32
        %parallel_loop3A_571 = arith.constant 0 : i32
        %parallel_loop3A_572 = arith.constant 0 : i32
        %parallel_loop3A_573 = arith.constant 0 : i32
        %parallel_loop3A_574 = tpu.memref_slice %arg7[%parallel_loop3A_569, %parallel_loop3A_570, %parallel_loop3A_571, %parallel_loop3A_572, %parallel_loop3A_573] : memref<2x4x5x8x129xf32, #tpu.memory_space<vmem>> -> memref<1x4x5x8x129xf32, #tpu.memory_space<vmem>>
        %parallel_loop3A_575 = tpu.memref_squeeze %parallel_loop3A_574 : memref<1x4x5x8x129xf32, #tpu.memory_space<vmem>> -> memref<4x5x8x129xf32, #tpu.memory_space<vmem>>
        tpu.vector_store_idx %parallel_loop3A_575[%select_n3A, %parallel_loop3A_546, %select_n3A_85, %parallel_loop3A_563], %parallel_loop3A_568 : memref<4x5x8x129xf32, #tpu.memory_space<vmem>>[vector<16xi32>, vector<16xi32>, vector<16xi32>, vector<16xi32>], vector<16xf32>,
        %parallel_loop3A_576 = arith.constant 0 : i32
        %parallel_loop3A_577 = arith.index_cast %parallel_loop3A_576 : i32 to index
        %parallel_loop3A_578 = arith.index_cast %parallel_loop3A_521 : i32 to index
        %parallel_loop3A_579 = arith.constant 16 : index
        %parallel_loop3A_580 = tpu.vector_load %arg6[%parallel_loop3A_577, %parallel_loop3A_578, %parallel_loop3A_579] {strides = array<i32>} : memref<2x512x32xf32, #tpu.memory_space<vmem>>, vector<16xf32>,
        %parallel_loop3A_581 = arith.constant 0 : i32
        %parallel_loop3A_582 = arith.constant 0 : i32
        %parallel_loop3A_583 = arith.constant 0 : i32
        %parallel_loop3A_584 = arith.constant 0 : i32
        %parallel_loop3A_585 = arith.constant 0 : i32
        %parallel_loop3A_586 = tpu.memref_slice %arg7[%parallel_loop3A_581, %parallel_loop3A_582, %parallel_loop3A_583, %parallel_loop3A_584, %parallel_loop3A_585] : memref<2x4x5x8x129xf32, #tpu.memory_space<vmem>> -> memref<1x4x5x8x129xf32, #tpu.memory_space<vmem>>
        %parallel_loop3A_587 = tpu.memref_squeeze %parallel_loop3A_586 : memref<1x4x5x8x129xf32, #tpu.memory_space<vmem>> -> memref<4x5x8x129xf32, #tpu.memory_space<vmem>>
        tpu.vector_store_idx %parallel_loop3A_587[%select_n3A_62, %parallel_loop3A_546, %select_n3A_110, %parallel_loop3A_563], %parallel_loop3A_580 : memref<4x5x8x129xf32, #tpu.memory_space<vmem>>[vector<16xi32>, vector<16xi32>, vector<16xi32>, vector<16xi32>], vector<16xf32>,
      } {sc.loop_unroll_factor = 8 : i64, sc.parallel_access}
      %add3A_318 = arith.addi %mul3A_2, %mul3A_231 : i32
      %jit3A_319 = arith.constant 32 : i32
      %div3A_320 = arith.divsi %add3A_318, %jit3A_319 : i32
      %sign3A_321 = arith.constant 0 : i32
      %sign3A_322 = arith.cmpi sgt, %add3A_318, %sign3A_321 : i32
      %sign3A_323 = arith.extui %sign3A_322 : i1 to i32
      %sign3A_324 = arith.constant 0 : i32
      %sign3A_325 = arith.cmpi slt, %add3A_318, %sign3A_324 : i32
      %sign3A_326 = arith.extui %sign3A_325 : i1 to i32
      %sign3A_327 = arith.subi %sign3A_323, %sign3A_326 : i32
      %sign3A_328 = arith.constant 0 : i32
      %sign3A_329 = arith.cmpi sgt, %jit3A_319, %sign3A_328 : i32
      %sign3A_330 = arith.extui %sign3A_329 : i1 to i32
      %sign3A_331 = arith.constant 0 : i32
      %sign3A_332 = arith.cmpi slt, %jit3A_319, %sign3A_331 : i32
      %sign3A_333 = arith.extui %sign3A_332 : i1 to i32
      %sign3A_334 = arith.subi %sign3A_330, %sign3A_333 : i32
      %ne3A_335 = arith.cmpi ne, %sign3A_327, %sign3A_334 : i32
      %rem3A_336 = arith.remsi %add3A_318, %jit3A_319 : i32
      %ne3A_337 = arith.constant 0 : i32
      %ne3A_338 = arith.cmpi ne, %rem3A_336, %ne3A_337 : i32
      %and3A_339 = arith.andi %ne3A_335, %ne3A_338 : i1
      %sub3A_340 = arith.constant 1 : i32
      %sub3A_341 = arith.subi %div3A_320, %sub3A_340 : i32
      %select_n3A_342 = arith.select %and3A_339, %sub3A_341, %div3A_320 : i32
      %jit3A_343 = arith.constant 32 : i32
      %eq3A_344 = arith.constant 0 : i32
      %eq3A_345 = arith.cmpi eq, %jit3A_343, %eq3A_344 : i32
      %jit3A_346 = arith.constant 1 : i32
      %select_n3A_347 = arith.select %eq3A_345, %jit3A_346, %jit3A_343 : i32
      %rem3A_348 = arith.remsi %add3A_318, %select_n3A_347 : i32
      %ne3A_349 = arith.constant 0 : i32
      %ne3A_350 = arith.cmpi ne, %rem3A_348, %ne3A_349 : i32
      %lt3A_351 = arith.constant 0 : i32
      %lt3A_352 = arith.cmpi slt, %rem3A_348, %lt3A_351 : i32
      %lt3A_353 = arith.constant 0 : i32
      %lt3A_354 = arith.cmpi slt, %select_n3A_347, %lt3A_353 : i32
      %ne3A_355 = arith.xori %lt3A_352, %lt3A_354 : i1
      %and3A_356 = arith.andi %ne3A_355, %ne3A_350 : i1
      %add3A_357 = arith.addi %rem3A_348, %select_n3A_347 : i32
      %select_n3A_358 = arith.select %and3A_356, %add3A_357, %rem3A_348 : i32
      %mul3A_359 = arith.constant 512 : i32
      %mul3A_360 = arith.muli %select_n3A_358, %mul3A_359 : i32
      %jit3A_361 = arith.constant 128 : i32
      %div3A_362 = arith.divsi %mul3A_360, %jit3A_361 : i32
      %sign3A_363 = arith.constant 0 : i32
      %sign3A_364 = arith.cmpi sgt, %mul3A_360, %sign3A_363 : i32
      %sign3A_365 = arith.extui %sign3A_364 : i1 to i32
      %sign3A_366 = arith.constant 0 : i32
      %sign3A_367 = arith.cmpi slt, %mul3A_360, %sign3A_366 : i32
      %sign3A_368 = arith.extui %sign3A_367 : i1 to i32
      %sign3A_369 = arith.subi %sign3A_365, %sign3A_368 : i32
      %sign3A_370 = arith.constant 0 : i32
      %sign3A_371 = arith.cmpi sgt, %jit3A_361, %sign3A_370 : i32
      %sign3A_372 = arith.extui %sign3A_371 : i1 to i32
      %sign3A_373 = arith.constant 0 : i32
      %sign3A_374 = arith.cmpi slt, %jit3A_361, %sign3A_373 : i32
      %sign3A_375 = arith.extui %sign3A_374 : i1 to i32
      %sign3A_376 = arith.subi %sign3A_372, %sign3A_375 : i32
      %ne3A_377 = arith.cmpi ne, %sign3A_369, %sign3A_376 : i32
      %rem3A_378 = arith.remsi %mul3A_360, %jit3A_361 : i32
      %ne3A_379 = arith.constant 0 : i32
      %ne3A_380 = arith.cmpi ne, %rem3A_378, %ne3A_379 : i32
      %and3A_381 = arith.andi %ne3A_377, %ne3A_380 : i1
      %sub3A_382 = arith.constant 1 : i32
      %sub3A_383 = arith.subi %div3A_362, %sub3A_382 : i32
      %select_n3A_384 = arith.select %and3A_381, %sub3A_383, %div3A_362 : i32
      %dma_start3A_385 = arith.constant 0 : i32
      %dma_start3A_386 = arith.constant 0 : i32
      %dma_start3A_387 = arith.constant 0 : i32
      %dma_start3A_388 = arith.constant 0 : i32
      %dma_start3A_389 = arith.constant 0 : i32
      %dma_start3A_390 = tpu.memref_slice %arg7[%dma_start3A_385, %dma_start3A_386, %dma_start3A_387, %dma_start3A_388, %dma_start3A_389] : memref<2x4x5x8x129xf32, #tpu.memory_space<vmem>> -> memref<1x4x4x8x128xf32, #tpu.memory_space<vmem>>
      %dma_start3A_391 = tpu.memref_squeeze %dma_start3A_390 : memref<1x4x4x8x128xf32, #tpu.memory_space<vmem>> -> memref<4x4x8x128xf32, #tpu.memory_space<vmem>>
      %dma_start3A_392 = arith.constant 0 : i32
      %dma_start3A_393 = arith.constant 0 : i32
      %dma_start3A_394 = arith.constant 0 : i32
      %dma_start3A_395 = tpu.memref_slice %arg4[%select_n3A_342, %dma_start3A_392, %select_n3A_384, %dma_start3A_393, %dma_start3A_394] : memref<200x4x128x8x128xf32, #tpu.memory_space<hbm>> -> memref<1x4x4x8x128xf32, #tpu.memory_space<hbm>>
      %dma_start3A_396 = tpu.memref_squeeze %dma_start3A_395 : memref<1x4x4x8x128xf32, #tpu.memory_space<hbm>> -> memref<4x4x8x128xf32, #tpu.memory_space<hbm>>
      %dma_start3A_397 = arith.constant 0 : i32
      %dma_start3A_398 = arith.constant 0 : i32
      %dma_start3A_399 = arith.constant 0 : i32
      %dma_start3A_400 = tpu.memref_slice %arg4[%select_n3A_342, %dma_start3A_397, %select_n3A_384, %dma_start3A_398, %dma_start3A_399] : memref<200x4x128x8x128xf32, #tpu.memory_space<hbm>> -> memref<1x4x4x8x128xf32, #tpu.memory_space<hbm>>
      %dma_start3A_401 = tpu.memref_squeeze %dma_start3A_400 : memref<1x4x4x8x128xf32, #tpu.memory_space<hbm>> -> memref<4x4x8x128xf32, #tpu.memory_space<hbm>>
      %dma_start3A_402 = arith.constant 0 : i32
      %dma_start3A_403 = arith.constant 0 : i32
      %dma_start3A_404 = arith.constant 0 : i32
      %dma_start3A_405 = arith.constant 0 : i32
      %dma_start3A_406 = tpu.memref_slice %arg7[%dma_start3A_385, %dma_start3A_402, %dma_start3A_403, %dma_start3A_404, %dma_start3A_405] : memref<2x4x5x8x129xf32, #tpu.memory_space<vmem>> -> memref<1x4x4x8x128xf32, #tpu.memory_space<vmem>>
      %dma_start3A_407 = tpu.memref_squeeze %dma_start3A_406 : memref<1x4x4x8x128xf32, #tpu.memory_space<vmem>> -> memref<4x4x8x128xf32, #tpu.memory_space<vmem>>
      tpu.enqueue_dma source(%dma_start3A_407 : memref<4x4x8x128xf32, #tpu.memory_space<vmem>>) target(%dma_start3A_401 : memref<4x4x8x128xf32, #tpu.memory_space<hbm>>) target_semaphore(%arg10 : memref<!tpu.dma_semaphore, #tpu.memory_space<semaphore_mem>>)
      %lt3A_408 = arith.constant 99 : i32
      %lt3A_409 = arith.cmpi slt, %scan3A_228, %lt3A_408 : i32
      %convert_element_type3A_410 = arith.extui %lt3A_409 : i1 to i32
      %cond3A_411 = arith.constant 0 : i32
      %cond3A_412 = arith.cmpi ne, %convert_element_type3A_410, %cond3A_411 : i32
      scf.if %cond3A_412 {
        %add3A_521 = arith.constant 2 : i32
        %add3A_522 = arith.addi %mul3A_231, %add3A_521 : i32
        %add3A_523 = arith.addi %mul3A_2, %add3A_522 : i32
        %jit3A_524 = arith.constant 32 : i32
        %div3A_525 = arith.divsi %add3A_523, %jit3A_524 : i32
        %sign3A_526 = arith.constant 0 : i32
        %sign3A_527 = arith.cmpi sgt, %add3A_523, %sign3A_526 : i32
        %sign3A_528 = arith.extui %sign3A_527 : i1 to i32
        %sign3A_529 = arith.constant 0 : i32
        %sign3A_530 = arith.cmpi slt, %add3A_523, %sign3A_529 : i32
        %sign3A_531 = arith.extui %sign3A_530 : i1 to i32
        %sign3A_532 = arith.subi %sign3A_528, %sign3A_531 : i32
        %sign3A_533 = arith.constant 0 : i32
        %sign3A_534 = arith.cmpi sgt, %jit3A_524, %sign3A_533 : i32
        %sign3A_535 = arith.extui %sign3A_534 : i1 to i32
        %sign3A_536 = arith.constant 0 : i32
        %sign3A_537 = arith.cmpi slt, %jit3A_524, %sign3A_536 : i32
        %sign3A_538 = arith.extui %sign3A_537 : i1 to i32
        %sign3A_539 = arith.subi %sign3A_535, %sign3A_538 : i32
        %ne3A_540 = arith.cmpi ne, %sign3A_532, %sign3A_539 : i32
        %rem3A_541 = arith.remsi %add3A_523, %jit3A_524 : i32
        %ne3A_542 = arith.constant 0 : i32
        %ne3A_543 = arith.cmpi ne, %rem3A_541, %ne3A_542 : i32
        %and3A_544 = arith.andi %ne3A_540, %ne3A_543 : i1
        %sub3A_545 = arith.constant 1 : i32
        %sub3A_546 = arith.subi %div3A_525, %sub3A_545 : i32
        %select_n3A_547 = arith.select %and3A_544, %sub3A_546, %div3A_525 : i32
        %jit3A_548 = arith.constant 32 : i32
        %eq3A_549 = arith.constant 0 : i32
        %eq3A_550 = arith.cmpi eq, %jit3A_548, %eq3A_549 : i32
        %jit3A_551 = arith.constant 1 : i32
        %select_n3A_552 = arith.select %eq3A_550, %jit3A_551, %jit3A_548 : i32
        %rem3A_553 = arith.remsi %add3A_523, %select_n3A_552 : i32
        %ne3A_554 = arith.constant 0 : i32
        %ne3A_555 = arith.cmpi ne, %rem3A_553, %ne3A_554 : i32
        %lt3A_556 = arith.constant 0 : i32
        %lt3A_557 = arith.cmpi slt, %rem3A_553, %lt3A_556 : i32
        %lt3A_558 = arith.constant 0 : i32
        %lt3A_559 = arith.cmpi slt, %select_n3A_552, %lt3A_558 : i32
        %ne3A_560 = arith.xori %lt3A_557, %lt3A_559 : i1
        %and3A_561 = arith.andi %ne3A_560, %ne3A_555 : i1
        %add3A_562 = arith.addi %rem3A_553, %select_n3A_552 : i32
        %select_n3A_563 = arith.select %and3A_561, %add3A_562, %rem3A_553 : i32
        %mul3A_564 = arith.constant 512 : i32
        %mul3A_565 = arith.muli %select_n3A_563, %mul3A_564 : i32
        %mul3A_566 = arith.constant 16384 : i32
        %mul3A_567 = arith.muli %select_n3A_547, %mul3A_566 : i32
        %add3A_568 = arith.addi %mul3A_567, %mul3A_565 : i32
        %run_scoped3A_569 = arith.constant 0 : i32
        "tpu.region"() ({
          %run_scoped3A_585 = tpu.sem_alloc : memref<!tpu.dma_semaphore, #tpu.memory_space<semaphore_mem>>
          %dma_start3A_586 = arith.constant 0 : i32
          %dma_start3A_587 = tpu.memref_slice %arg5[%run_scoped3A_569, %dma_start3A_586] : memref<2x512xi32, #tpu.memory_space<vmem>> -> memref<1x512xi32, #tpu.memory_space<vmem>>
          %dma_start3A_588 = tpu.memref_squeeze %dma_start3A_587 : memref<1x512xi32, #tpu.memory_space<vmem>> -> memref<512xi32, #tpu.memory_space<vmem>>
          %dma_start3A_589 = tpu.memref_slice %arg2[%add3A_568] : memref<3276800xi32, #tpu.memory_space<hbm>> -> memref<512xi32, #tpu.memory_space<hbm>>
          %dma_start3A_590 = arith.constant 0 : i32
          %dma_start3A_591 = tpu.memref_slice %arg5[%run_scoped3A_569, %dma_start3A_590] : memref<2x512xi32, #tpu.memory_space<vmem>> -> memref<1x512xi32, #tpu.memory_space<vmem>>
          %dma_start3A_592 = tpu.memref_squeeze %dma_start3A_591 : memref<1x512xi32, #tpu.memory_space<vmem>> -> memref<512xi32, #tpu.memory_space<vmem>>
          %dma_start3A_593 = tpu.memref_slice %arg2[%add3A_568] : memref<3276800xi32, #tpu.memory_space<hbm>> -> memref<512xi32, #tpu.memory_space<hbm>>
          tpu.enqueue_dma source(%dma_start3A_593 : memref<512xi32, #tpu.memory_space<hbm>>) target(%dma_start3A_592 : memref<512xi32, #tpu.memory_space<vmem>>) target_semaphore(%run_scoped3A_585 : memref<!tpu.dma_semaphore, #tpu.memory_space<semaphore_mem>>)
          %dma_wait3A_594 = arith.constant 0 : i32
          %dma_wait3A_595 = tpu.memref_slice %arg5[%run_scoped3A_569, %dma_wait3A_594] : memref<2x512xi32, #tpu.memory_space<vmem>> -> memref<1x512xi32, #tpu.memory_space<vmem>>
          %dma_wait3A_596 = tpu.memref_squeeze %dma_wait3A_595 : memref<1x512xi32, #tpu.memory_space<vmem>> -> memref<512xi32, #tpu.memory_space<vmem>>
          %dma_wait3A_597 = tpu.memref_slice %arg2[%add3A_568] : memref<3276800xi32, #tpu.memory_space<hbm>> -> memref<512xi32, #tpu.memory_space<hbm>>
          %dma_wait3A_598 = arith.constant 0 : i32
          %dma_wait3A_599 = tpu.memref_slice %arg5[%run_scoped3A_569, %dma_wait3A_598] : memref<2x512xi32, #tpu.memory_space<vmem>> -> memref<1x512xi32, #tpu.memory_space<vmem>>
          %dma_wait3A_600 = tpu.memref_squeeze %dma_wait3A_599 : memref<1x512xi32, #tpu.memory_space<vmem>> -> memref<512xi32, #tpu.memory_space<vmem>>
          %dma_wait3A_601 = tpu.memref_slice %arg2[%add3A_568] : memref<3276800xi32, #tpu.memory_space<hbm>> -> memref<512xi32, #tpu.memory_space<hbm>>
          tpu.wait_dma2 semaphore(%run_scoped3A_585 : memref<!tpu.dma_semaphore, #tpu.memory_space<semaphore_mem>>) src(%dma_wait3A_601 : memref<512xi32, #tpu.memory_space<hbm>>) dst(%dma_wait3A_600 : memref<512xi32, #tpu.memory_space<vmem>>)
          tpu.yield
        }) : () -> ()
        %parallel_loop3A_570 = arith.constant 0 : i32
        %parallel_loop3A_571 = arith.constant 32 : i32
        %parallel_loop3A_572 = arith.constant 1 : i32
        scf.for %parallel_loop3A_585 = %parallel_loop3A_570 to %parallel_loop3A_571 step %parallel_loop3A_572  : i32 {
          %parallel_loop3A_586 = arith.constant 16 : i32
          %parallel_loop3A_587 = arith.muli %parallel_loop3A_585, %parallel_loop3A_586 : i32
          %parallel_loop3A_588 = arith.constant 0 : i32
          %parallel_loop3A_589 = arith.index_cast %parallel_loop3A_588 : i32 to index
          %parallel_loop3A_590 = arith.index_cast %parallel_loop3A_587 : i32 to index
          %parallel_loop3A_591 = tpu.vector_load %arg5[%parallel_loop3A_589, %parallel_loop3A_590] {strides = array<i32>} : memref<2x512xi32, #tpu.memory_space<vmem>>, vector<16xi32>,
          %parallel_loop3A_592 = arith.constant 4 : i32
          %parallel_loop3A_593 = vector.broadcast %parallel_loop3A_592 : i32 to vector<16xi32>
          %parallel_loop3A_594 = arith.muli %parallel_loop3A_591, %parallel_loop3A_593 : vector<16xi32>
          %parallel_loop3A_595 = arith.constant 16 : i32
          %parallel_loop3A_596 = arith.muli %parallel_loop3A_585, %parallel_loop3A_595 : i32
          %parallel_loop3A_597 = arith.constant 0 : i32
          %parallel_loop3A_598 = arith.index_cast %parallel_loop3A_597 : i32 to index
          %parallel_loop3A_599 = arith.index_cast %parallel_loop3A_596 : i32 to index
          %parallel_loop3A_600 = tpu.vector_load %arg5[%parallel_loop3A_598, %parallel_loop3A_599] {strides = array<i32>} : memref<2x512xi32, #tpu.memory_space<vmem>>, vector<16xi32>,
          tpu.vector_store %arg5[%parallel_loop3A_598, %parallel_loop3A_599], %parallel_loop3A_594 {strides = array<i32>} : memref<2x512xi32, #tpu.memory_space<vmem>>, vector<16xi32>,
        } {sc.loop_unroll_factor = 8 : i64, sc.parallel_access}
        %dma_start3A_573 = arith.constant 0 : i32
        %dma_start3A_574 = arith.constant 0 : i32
        %dma_start3A_575 = arith.constant 0 : i32
        %dma_start3A_576 = arith.constant 0 : i32
        %dma_start3A_577 = tpu.memref_slice %arg6[%dma_start3A_574, %dma_start3A_575, %dma_start3A_576] : memref<2x512x32xf32, #tpu.memory_space<vmem>> -> memref<1x512x32xf32, #tpu.memory_space<vmem>>
        %dma_start3A_578 = tpu.memref_squeeze %dma_start3A_577 : memref<1x512x32xf32, #tpu.memory_space<vmem>> -> memref<512x32xf32, #tpu.memory_space<vmem>>
        %dma_start3A_579 = arith.constant 0 : i32
        %dma_start3A_580 = tpu.memref_slice %arg5[%dma_start3A_573, %dma_start3A_579] : memref<2x512xi32, #tpu.memory_space<vmem>> -> memref<1x512xi32, #tpu.memory_space<vmem>>
        %dma_start3A_581 = tpu.memref_squeeze %dma_start3A_580 : memref<1x512xi32, #tpu.memory_space<vmem>> -> memref<512xi32, #tpu.memory_space<vmem>>
        %dma_start3A_582 = arith.constant 0 : i32
        %dma_start3A_583 = arith.constant 0 : i32
        %dma_start3A_584 = tpu.memref_slice %arg3[%dma_start3A_582, %dma_start3A_583] : memref<4000000x32xf32, #tpu.memory_space<hbm>> -> memref<4000000x32xf32, #tpu.memory_space<hbm>>
        tpu.enqueue_indirect_dma source(%dma_start3A_584 : memref<4000000x32xf32, #tpu.memory_space<hbm>>) target(%dma_start3A_578 : memref<512x32xf32, #tpu.memory_space<vmem>>) offsets(%dma_start3A_581 : memref<512xi32, #tpu.memory_space<vmem>>) semaphore(%arg8 : memref<!tpu.dma_semaphore, #tpu.memory_space<semaphore_mem>>)
      } else {
      }
      %dma_wait3A_413 = arith.constant 1 : i32
      %dma_wait3A_414 = arith.constant 1 : i32
      %dma_wait3A_415 = arith.constant 0 : i32
      %dma_wait3A_416 = arith.constant 0 : i32
      %dma_wait3A_417 = tpu.memref_slice %arg6[%dma_wait3A_414, %dma_wait3A_415, %dma_wait3A_416] : memref<2x512x32xf32, #tpu.memory_space<vmem>> -> memref<1x512x32xf32, #tpu.memory_space<vmem>>
      %dma_wait3A_418 = tpu.memref_squeeze %dma_wait3A_417 : memref<1x512x32xf32, #tpu.memory_space<vmem>> -> memref<512x32xf32, #tpu.memory_space<vmem>>
      %dma_wait3A_419 = arith.constant 0 : i32
      %dma_wait3A_420 = tpu.memref_slice %arg5[%dma_wait3A_413, %dma_wait3A_419] : memref<2x512xi32, #tpu.memory_space<vmem>> -> memref<1x512xi32, #tpu.memory_space<vmem>>
      %dma_wait3A_421 = tpu.memref_squeeze %dma_wait3A_420 : memref<1x512xi32, #tpu.memory_space<vmem>> -> memref<512xi32, #tpu.memory_space<vmem>>
      %dma_wait3A_422 = arith.constant 0 : i32
      %dma_wait3A_423 = arith.constant 0 : i32
      %dma_wait3A_424 = tpu.memref_slice %arg3[%dma_wait3A_422, %dma_wait3A_423] : memref<4000000x32xf32, #tpu.memory_space<hbm>> -> memref<4000000x32xf32, #tpu.memory_space<hbm>>
      tpu.wait_indirect_dma semaphore(%arg9 : memref<!tpu.dma_semaphore, #tpu.memory_space<semaphore_mem>>) src(%dma_wait3A_424 : memref<4000000x32xf32, #tpu.memory_space<hbm>>) dst(%dma_wait3A_418 : memref<512x32xf32, #tpu.memory_space<vmem>>)
      %parallel_loop3A_425 = arith.constant 0 : i32
      %parallel_loop3A_426 = arith.constant 512 : i32
      %parallel_loop3A_427 = arith.constant 1 : i32
      scf.for %parallel_loop3A_521 = %parallel_loop3A_425 to %parallel_loop3A_426 step %parallel_loop3A_427  : i32 {
        %parallel_loop3A_522 = arith.constant 128 : i32
        %parallel_loop3A_523 = arith.divsi %parallel_loop3A_521, %parallel_loop3A_522 : i32
        %parallel_loop3A_524 = arith.constant 0 : i32
        %parallel_loop3A_525 = arith.cmpi sgt, %parallel_loop3A_521, %parallel_loop3A_524 : i32
        %parallel_loop3A_526 = arith.extui %parallel_loop3A_525 : i1 to i32
        %parallel_loop3A_527 = arith.constant 0 : i32
        %parallel_loop3A_528 = arith.cmpi slt, %parallel_loop3A_521, %parallel_loop3A_527 : i32
        %parallel_loop3A_529 = arith.extui %parallel_loop3A_528 : i1 to i32
        %parallel_loop3A_530 = arith.subi %parallel_loop3A_526, %parallel_loop3A_529 : i32
        %parallel_loop3A_531 = arith.constant 0 : i32
        %parallel_loop3A_532 = arith.cmpi sgt, %parallel_loop3A_522, %parallel_loop3A_531 : i32
        %parallel_loop3A_533 = arith.extui %parallel_loop3A_532 : i1 to i32
        %parallel_loop3A_534 = arith.constant 0 : i32
        %parallel_loop3A_535 = arith.cmpi slt, %parallel_loop3A_522, %parallel_loop3A_534 : i32
        %parallel_loop3A_536 = arith.extui %parallel_loop3A_535 : i1 to i32
        %parallel_loop3A_537 = arith.subi %parallel_loop3A_533, %parallel_loop3A_536 : i32
        %parallel_loop3A_538 = arith.cmpi ne, %parallel_loop3A_530, %parallel_loop3A_537 : i32
        %parallel_loop3A_539 = arith.remsi %parallel_loop3A_521, %parallel_loop3A_522 : i32
        %parallel_loop3A_540 = arith.constant 0 : i32
        %parallel_loop3A_541 = arith.cmpi ne, %parallel_loop3A_539, %parallel_loop3A_540 : i32
        %parallel_loop3A_542 = arith.andi %parallel_loop3A_538, %parallel_loop3A_541 : i1
        %parallel_loop3A_543 = arith.constant 1 : i32
        %parallel_loop3A_544 = arith.subi %parallel_loop3A_523, %parallel_loop3A_543 : i32
        %parallel_loop3A_545 = arith.select %parallel_loop3A_542, %parallel_loop3A_544, %parallel_loop3A_523 : i32
        %parallel_loop3A_546 = vector.broadcast %parallel_loop3A_545 : i32 to vector<16xi32>
        %parallel_loop3A_547 = arith.constant 128 : i32
        %parallel_loop3A_548 = arith.constant 0 : i32
        %parallel_loop3A_549 = arith.cmpi eq, %parallel_loop3A_547, %parallel_loop3A_548 : i32
        %parallel_loop3A_550 = arith.constant 1 : i32
        %parallel_loop3A_551 = arith.select %parallel_loop3A_549, %parallel_loop3A_550, %parallel_loop3A_547 : i32
        %parallel_loop3A_552 = arith.remsi %parallel_loop3A_521, %parallel_loop3A_551 : i32
        %parallel_loop3A_553 = arith.constant 0 : i32
        %parallel_loop3A_554 = arith.cmpi ne, %parallel_loop3A_552, %parallel_loop3A_553 : i32
        %parallel_loop3A_555 = arith.constant 0 : i32
        %parallel_loop3A_556 = arith.cmpi slt, %parallel_loop3A_552, %parallel_loop3A_555 : i32
        %parallel_loop3A_557 = arith.constant 0 : i32
        %parallel_loop3A_558 = arith.cmpi slt, %parallel_loop3A_551, %parallel_loop3A_557 : i32
        %parallel_loop3A_559 = arith.xori %parallel_loop3A_556, %parallel_loop3A_558 : i1
        %parallel_loop3A_560 = arith.andi %parallel_loop3A_559, %parallel_loop3A_554 : i1
        %parallel_loop3A_561 = arith.addi %parallel_loop3A_552, %parallel_loop3A_551 : i32
        %parallel_loop3A_562 = arith.select %parallel_loop3A_560, %parallel_loop3A_561, %parallel_loop3A_552 : i32
        %parallel_loop3A_563 = vector.broadcast %parallel_loop3A_562 : i32 to vector<16xi32>
        %parallel_loop3A_564 = arith.constant 1 : i32
        %parallel_loop3A_565 = arith.index_cast %parallel_loop3A_564 : i32 to index
        %parallel_loop3A_566 = arith.index_cast %parallel_loop3A_521 : i32 to index
        %parallel_loop3A_567 = arith.constant 0 : index
        %parallel_loop3A_568 = tpu.vector_load %arg6[%parallel_loop3A_565, %parallel_loop3A_566, %parallel_loop3A_567] {strides = array<i32>} : memref<2x512x32xf32, #tpu.memory_space<vmem>>, vector<16xf32>,
        %parallel_loop3A_569 = arith.constant 1 : i32
        %parallel_loop3A_570 = arith.constant 0 : i32
        %parallel_loop3A_571 = arith.constant 0 : i32
        %parallel_loop3A_572 = arith.constant 0 : i32
        %parallel_loop3A_573 = arith.constant 0 : i32
        %parallel_loop3A_574 = tpu.memref_slice %arg7[%parallel_loop3A_569, %parallel_loop3A_570, %parallel_loop3A_571, %parallel_loop3A_572, %parallel_loop3A_573] : memref<2x4x5x8x129xf32, #tpu.memory_space<vmem>> -> memref<1x4x5x8x129xf32, #tpu.memory_space<vmem>>
        %parallel_loop3A_575 = tpu.memref_squeeze %parallel_loop3A_574 : memref<1x4x5x8x129xf32, #tpu.memory_space<vmem>> -> memref<4x5x8x129xf32, #tpu.memory_space<vmem>>
        tpu.vector_store_idx %parallel_loop3A_575[%select_n3A, %parallel_loop3A_546, %select_n3A_85, %parallel_loop3A_563], %parallel_loop3A_568 : memref<4x5x8x129xf32, #tpu.memory_space<vmem>>[vector<16xi32>, vector<16xi32>, vector<16xi32>, vector<16xi32>], vector<16xf32>,
        %parallel_loop3A_576 = arith.constant 1 : i32
        %parallel_loop3A_577 = arith.index_cast %parallel_loop3A_576 : i32 to index
        %parallel_loop3A_578 = arith.index_cast %parallel_loop3A_521 : i32 to index
        %parallel_loop3A_579 = arith.constant 16 : index
        %parallel_loop3A_580 = tpu.vector_load %arg6[%parallel_loop3A_577, %parallel_loop3A_578, %parallel_loop3A_579] {strides = array<i32>} : memref<2x512x32xf32, #tpu.memory_space<vmem>>, vector<16xf32>,
        %parallel_loop3A_581 = arith.constant 1 : i32
        %parallel_loop3A_582 = arith.constant 0 : i32
        %parallel_loop3A_583 = arith.constant 0 : i32
        %parallel_loop3A_584 = arith.constant 0 : i32
        %parallel_loop3A_585 = arith.constant 0 : i32
        %parallel_loop3A_586 = tpu.memref_slice %arg7[%parallel_loop3A_581, %parallel_loop3A_582, %parallel_loop3A_583, %parallel_loop3A_584, %parallel_loop3A_585] : memref<2x4x5x8x129xf32, #tpu.memory_space<vmem>> -> memref<1x4x5x8x129xf32, #tpu.memory_space<vmem>>
        %parallel_loop3A_587 = tpu.memref_squeeze %parallel_loop3A_586 : memref<1x4x5x8x129xf32, #tpu.memory_space<vmem>> -> memref<4x5x8x129xf32, #tpu.memory_space<vmem>>
        tpu.vector_store_idx %parallel_loop3A_587[%select_n3A_62, %parallel_loop3A_546, %select_n3A_110, %parallel_loop3A_563], %parallel_loop3A_580 : memref<4x5x8x129xf32, #tpu.memory_space<vmem>>[vector<16xi32>, vector<16xi32>, vector<16xi32>, vector<16xi32>], vector<16xf32>,
      } {sc.loop_unroll_factor = 8 : i64, sc.parallel_access}
      %add3A_428 = arith.constant 1 : i32
      %add3A_429 = arith.addi %mul3A_231, %add3A_428 : i32
      %add3A_430 = arith.addi %mul3A_2, %add3A_429 : i32
      %jit3A_431 = arith.constant 32 : i32
      %div3A_432 = arith.divsi %add3A_430, %jit3A_431 : i32
      %sign3A_433 = arith.constant 0 : i32
      %sign3A_434 = arith.cmpi sgt, %add3A_430, %sign3A_433 : i32
      %sign3A_435 = arith.extui %sign3A_434 : i1 to i32
      %sign3A_436 = arith.constant 0 : i32
      %sign3A_437 = arith.cmpi slt, %add3A_430, %sign3A_436 : i32
      %sign3A_438 = arith.extui %sign3A_437 : i1 to i32
      %sign3A_439 = arith.subi %sign3A_435, %sign3A_438 : i32
      %sign3A_440 = arith.constant 0 : i32
      %sign3A_441 = arith.cmpi sgt, %jit3A_431, %sign3A_440 : i32
      %sign3A_442 = arith.extui %sign3A_441 : i1 to i32
      %sign3A_443 = arith.constant 0 : i32
      %sign3A_444 = arith.cmpi slt, %jit3A_431, %sign3A_443 : i32
      %sign3A_445 = arith.extui %sign3A_444 : i1 to i32
      %sign3A_446 = arith.subi %sign3A_442, %sign3A_445 : i32
      %ne3A_447 = arith.cmpi ne, %sign3A_439, %sign3A_446 : i32
      %rem3A_448 = arith.remsi %add3A_430, %jit3A_431 : i32
      %ne3A_449 = arith.constant 0 : i32
      %ne3A_450 = arith.cmpi ne, %rem3A_448, %ne3A_449 : i32
      %and3A_451 = arith.andi %ne3A_447, %ne3A_450 : i1
      %sub3A_452 = arith.constant 1 : i32
      %sub3A_453 = arith.subi %div3A_432, %sub3A_452 : i32
      %select_n3A_454 = arith.select %and3A_451, %sub3A_453, %div3A_432 : i32
      %jit3A_455 = arith.constant 32 : i32
      %eq3A_456 = arith.constant 0 : i32
      %eq3A_457 = arith.cmpi eq, %jit3A_455, %eq3A_456 : i32
      %jit3A_458 = arith.constant 1 : i32
      %select_n3A_459 = arith.select %eq3A_457, %jit3A_458, %jit3A_455 : i32
      %rem3A_460 = arith.remsi %add3A_430, %select_n3A_459 : i32
      %ne3A_461 = arith.constant 0 : i32
      %ne3A_462 = arith.cmpi ne, %rem3A_460, %ne3A_461 : i32
      %lt3A_463 = arith.constant 0 : i32
      %lt3A_464 = arith.cmpi slt, %rem3A_460, %lt3A_463 : i32
      %lt3A_465 = arith.constant 0 : i32
      %lt3A_466 = arith.cmpi slt, %select_n3A_459, %lt3A_465 : i32
      %ne3A_467 = arith.xori %lt3A_464, %lt3A_466 : i1
      %and3A_468 = arith.andi %ne3A_467, %ne3A_462 : i1
      %add3A_469 = arith.addi %rem3A_460, %select_n3A_459 : i32
      %select_n3A_470 = arith.select %and3A_468, %add3A_469, %rem3A_460 : i32
      %mul3A_471 = arith.constant 512 : i32
      %mul3A_472 = arith.muli %select_n3A_470, %mul3A_471 : i32
      %jit3A_473 = arith.constant 128 : i32
      %div3A_474 = arith.divsi %mul3A_472, %jit3A_473 : i32
      %sign3A_475 = arith.constant 0 : i32
      %sign3A_476 = arith.cmpi sgt, %mul3A_472, %sign3A_475 : i32
      %sign3A_477 = arith.extui %sign3A_476 : i1 to i32
      %sign3A_478 = arith.constant 0 : i32
      %sign3A_479 = arith.cmpi slt, %mul3A_472, %sign3A_478 : i32
      %sign3A_480 = arith.extui %sign3A_479 : i1 to i32
      %sign3A_481 = arith.subi %sign3A_477, %sign3A_480 : i32
      %sign3A_482 = arith.constant 0 : i32
      %sign3A_483 = arith.cmpi sgt, %jit3A_473, %sign3A_482 : i32
      %sign3A_484 = arith.extui %sign3A_483 : i1 to i32
      %sign3A_485 = arith.constant 0 : i32
      %sign3A_486 = arith.cmpi slt, %jit3A_473, %sign3A_485 : i32
      %sign3A_487 = arith.extui %sign3A_486 : i1 to i32
      %sign3A_488 = arith.subi %sign3A_484, %sign3A_487 : i32
      %ne3A_489 = arith.cmpi ne, %sign3A_481, %sign3A_488 : i32
      %rem3A_490 = arith.remsi %mul3A_472, %jit3A_473 : i32
      %ne3A_491 = arith.constant 0 : i32
      %ne3A_492 = arith.cmpi ne, %rem3A_490, %ne3A_491 : i32
      %and3A_493 = arith.andi %ne3A_489, %ne3A_492 : i1
      %sub3A_494 = arith.constant 1 : i32
      %sub3A_495 = arith.subi %div3A_474, %sub3A_494 : i32
      %select_n3A_496 = arith.select %and3A_493, %sub3A_495, %div3A_474 : i32
      %dma_start3A_497 = arith.constant 1 : i32
      %dma_start3A_498 = arith.constant 0 : i32
      %dma_start3A_499 = arith.constant 0 : i32
      %dma_start3A_500 = arith.constant 0 : i32
      %dma_start3A_501 = arith.constant 0 : i32
      %dma_start3A_502 = tpu.memref_slice %arg7[%dma_start3A_497, %dma_start3A_498, %dma_start3A_499, %dma_start3A_500, %dma_start3A_501] : memref<2x4x5x8x129xf32, #tpu.memory_space<vmem>> -> memref<1x4x4x8x128xf32, #tpu.memory_space<vmem>>
      %dma_start3A_503 = tpu.memref_squeeze %dma_start3A_502 : memref<1x4x4x8x128xf32, #tpu.memory_space<vmem>> -> memref<4x4x8x128xf32, #tpu.memory_space<vmem>>
      %dma_start3A_504 = arith.constant 0 : i32
      %dma_start3A_505 = arith.constant 0 : i32
      %dma_start3A_506 = arith.constant 0 : i32
      %dma_start3A_507 = tpu.memref_slice %arg4[%select_n3A_454, %dma_start3A_504, %select_n3A_496, %dma_start3A_505, %dma_start3A_506] : memref<200x4x128x8x128xf32, #tpu.memory_space<hbm>> -> memref<1x4x4x8x128xf32, #tpu.memory_space<hbm>>
      %dma_start3A_508 = tpu.memref_squeeze %dma_start3A_507 : memref<1x4x4x8x128xf32, #tpu.memory_space<hbm>> -> memref<4x4x8x128xf32, #tpu.memory_space<hbm>>
      %dma_start3A_509 = arith.constant 0 : i32
      %dma_start3A_510 = arith.constant 0 : i32
      %dma_start3A_511 = arith.constant 0 : i32
      %dma_start3A_512 = tpu.memref_slice %arg4[%select_n3A_454, %dma_start3A_509, %select_n3A_496, %dma_start3A_510, %dma_start3A_511] : memref<200x4x128x8x128xf32, #tpu.memory_space<hbm>> -> memref<1x4x4x8x128xf32, #tpu.memory_space<hbm>>
      %dma_start3A_513 = tpu.memref_squeeze %dma_start3A_512 : memref<1x4x4x8x128xf32, #tpu.memory_space<hbm>> -> memref<4x4x8x128xf32, #tpu.memory_space<hbm>>
      %dma_start3A_514 = arith.constant 0 : i32
      %dma_start3A_515 = arith.constant 0 : i32
      %dma_start3A_516 = arith.constant 0 : i32
      %dma_start3A_517 = arith.constant 0 : i32
      %dma_start3A_518 = tpu.memref_slice %arg7[%dma_start3A_497, %dma_start3A_514, %dma_start3A_515, %dma_start3A_516, %dma_start3A_517] : memref<2x4x5x8x129xf32, #tpu.memory_space<vmem>> -> memref<1x4x4x8x128xf32, #tpu.memory_space<vmem>>
      %dma_start3A_519 = tpu.memref_squeeze %dma_start3A_518 : memref<1x4x4x8x128xf32, #tpu.memory_space<vmem>> -> memref<4x4x8x128xf32, #tpu.memory_space<vmem>>
      tpu.enqueue_dma source(%dma_start3A_519 : memref<4x4x8x128xf32, #tpu.memory_space<vmem>>) target(%dma_start3A_513 : memref<4x4x8x128xf32, #tpu.memory_space<hbm>>) target_semaphore(%arg11 : memref<!tpu.dma_semaphore, #tpu.memory_space<semaphore_mem>>)
      %scan3A_520 = arith.constant 0 : i32
      scf.yield %scan3A_520 : i32
    }
    %scan3A_176 = arith.constant 100 : i32
    %dma_wait3A = arith.constant 0 : i32
    %dma_wait3A_177 = arith.constant 0 : i32
    %dma_wait3A_178 = arith.constant 0 : i32
    %dma_wait3A_179 = arith.constant 0 : i32
    %dma_wait3A_180 = arith.constant 0 : i32
    %dma_wait3A_181 = arith.constant 0 : i32
    %dma_wait3A_182 = tpu.memref_slice %arg7[%dma_wait3A, %dma_wait3A_178, %dma_wait3A_179, %dma_wait3A_180, %dma_wait3A_181] : memref<2x4x5x8x129xf32, #tpu.memory_space<vmem>> -> memref<1x4x4x8x128xf32, #tpu.memory_space<vmem>>
    %dma_wait3A_183 = tpu.memref_squeeze %dma_wait3A_182 : memref<1x4x4x8x128xf32, #tpu.memory_space<vmem>> -> memref<4x4x8x128xf32, #tpu.memory_space<vmem>>
    %dma_wait3A_184 = arith.constant 0 : i32
    %dma_wait3A_185 = arith.constant 0 : i32
    %dma_wait3A_186 = arith.constant 0 : i32
    %dma_wait3A_187 = arith.constant 0 : i32
    %dma_wait3A_188 = tpu.memref_slice %arg4[%dma_wait3A_177, %dma_wait3A_184, %dma_wait3A_185, %dma_wait3A_186, %dma_wait3A_187] : memref<200x4x128x8x128xf32, #tpu.memory_space<hbm>> -> memref<1x4x4x8x128xf32, #tpu.memory_space<hbm>>
    %dma_wait3A_189 = tpu.memref_squeeze %dma_wait3A_188 : memref<1x4x4x8x128xf32, #tpu.memory_space<hbm>> -> memref<4x4x8x128xf32, #tpu.memory_space<hbm>>
    %dma_wait3A_190 = arith.constant 0 : i32
    %dma_wait3A_191 = arith.constant 0 : i32
    %dma_wait3A_192 = arith.constant 0 : i32
    %dma_wait3A_193 = arith.constant 0 : i32
    %dma_wait3A_194 = tpu.memref_slice %arg4[%dma_wait3A_177, %dma_wait3A_190, %dma_wait3A_191, %dma_wait3A_192, %dma_wait3A_193] : memref<200x4x128x8x128xf32, #tpu.memory_space<hbm>> -> memref<1x4x4x8x128xf32, #tpu.memory_space<hbm>>
    %dma_wait3A_195 = tpu.memref_squeeze %dma_wait3A_194 : memref<1x4x4x8x128xf32, #tpu.memory_space<hbm>> -> memref<4x4x8x128xf32, #tpu.memory_space<hbm>>
    %dma_wait3A_196 = arith.constant 0 : i32
    %dma_wait3A_197 = arith.constant 0 : i32
    %dma_wait3A_198 = arith.constant 0 : i32
    %dma_wait3A_199 = arith.constant 0 : i32
    %dma_wait3A_200 = tpu.memref_slice %arg7[%dma_wait3A, %dma_wait3A_196, %dma_wait3A_197, %dma_wait3A_198, %dma_wait3A_199] : memref<2x4x5x8x129xf32, #tpu.memory_space<vmem>> -> memref<1x4x4x8x128xf32, #tpu.memory_space<vmem>>
    %dma_wait3A_201 = tpu.memref_squeeze %dma_wait3A_200 : memref<1x4x4x8x128xf32, #tpu.memory_space<vmem>> -> memref<4x4x8x128xf32, #tpu.memory_space<vmem>>
    tpu.wait_dma2 semaphore(%arg10 : memref<!tpu.dma_semaphore, #tpu.memory_space<semaphore_mem>>) src(%dma_wait3A_201 : memref<4x4x8x128xf32, #tpu.memory_space<vmem>>) dst(%dma_wait3A_195 : memref<4x4x8x128xf32, #tpu.memory_space<hbm>>)
    %dma_wait3A_202 = arith.constant 1 : i32
    %dma_wait3A_203 = arith.constant 0 : i32
    %dma_wait3A_204 = arith.constant 0 : i32
    %dma_wait3A_205 = arith.constant 0 : i32
    %dma_wait3A_206 = arith.constant 0 : i32
    %dma_wait3A_207 = arith.constant 0 : i32
    %dma_wait3A_208 = tpu.memref_slice %arg7[%dma_wait3A_202, %dma_wait3A_204, %dma_wait3A_205, %dma_wait3A_206, %dma_wait3A_207] : memref<2x4x5x8x129xf32, #tpu.memory_space<vmem>> -> memref<1x4x4x8x128xf32, #tpu.memory_space<vmem>>
    %dma_wait3A_209 = tpu.memref_squeeze %dma_wait3A_208 : memref<1x4x4x8x128xf32, #tpu.memory_space<vmem>> -> memref<4x4x8x128xf32, #tpu.memory_space<vmem>>
    %dma_wait3A_210 = arith.constant 0 : i32
    %dma_wait3A_211 = arith.constant 0 : i32
    %dma_wait3A_212 = arith.constant 0 : i32
    %dma_wait3A_213 = arith.constant 0 : i32
    %dma_wait3A_214 = tpu.memref_slice %arg4[%dma_wait3A_203, %dma_wait3A_210, %dma_wait3A_211, %dma_wait3A_212, %dma_wait3A_213] : memref<200x4x128x8x128xf32, #tpu.memory_space<hbm>> -> memref<1x4x4x8x128xf32, #tpu.memory_space<hbm>>
    %dma_wait3A_215 = tpu.memref_squeeze %dma_wait3A_214 : memref<1x4x4x8x128xf32, #tpu.memory_space<hbm>> -> memref<4x4x8x128xf32, #tpu.memory_space<hbm>>
    %dma_wait3A_216 = arith.constant 0 : i32
    %dma_wait3A_217 = arith.constant 0 : i32
    %dma_wait3A_218 = arith.constant 0 : i32
    %dma_wait3A_219 = arith.constant 0 : i32
    %dma_wait3A_220 = tpu.memref_slice %arg4[%dma_wait3A_203, %dma_wait3A_216, %dma_wait3A_217, %dma_wait3A_218, %dma_wait3A_219] : memref<200x4x128x8x128xf32, #tpu.memory_space<hbm>> -> memref<1x4x4x8x128xf32, #tpu.memory_space<hbm>>
    %dma_wait3A_221 = tpu.memref_squeeze %dma_wait3A_220 : memref<1x4x4x8x128xf32, #tpu.memory_space<hbm>> -> memref<4x4x8x128xf32, #tpu.memory_space<hbm>>
    %dma_wait3A_222 = arith.constant 0 : i32
    %dma_wait3A_223 = arith.constant 0 : i32
    %dma_wait3A_224 = arith.constant 0 : i32
    %dma_wait3A_225 = arith.constant 0 : i32
    %dma_wait3A_226 = tpu.memref_slice %arg7[%dma_wait3A_202, %dma_wait3A_222, %dma_wait3A_223, %dma_wait3A_224, %dma_wait3A_225] : memref<2x4x5x8x129xf32, #tpu.memory_space<vmem>> -> memref<1x4x4x8x128xf32, #tpu.memory_space<vmem>>
    %dma_wait3A_227 = tpu.memref_squeeze %dma_wait3A_226 : memref<1x4x4x8x128xf32, #tpu.memory_space<vmem>> -> memref<4x4x8x128xf32, #tpu.memory_space<vmem>>
    tpu.wait_dma2 semaphore(%arg11 : memref<!tpu.dma_semaphore, #tpu.memory_space<semaphore_mem>>) src(%dma_wait3A_227 : memref<4x4x8x128xf32, #tpu.memory_space<vmem>>) dst(%dma_wait3A_221 : memref<4x4x8x128xf32, #tpu.memory_space<hbm>>)
    return
  }
}

</mosaic_0001>

<sc_bundles>
// kernel: kernel.3.cloned.1.call-start
scs
__scs_entry_jumppad:
0x0: {  	(pc) =	sbr.rel $0x88, $3  }
0x1: {  	(tag) =	ssettag $0x0;
	lr =	simm.s32 $0x1  }
0x2: {  	[smem:$0x3F9F] =	sst lr;
	_ =	strace $0xD0000000  }
0x3: {  	_ = 	snop  }
0x4: {  	_ = 	snop  }
0x5: {  	_ = 	snop  }
0x6: {  	_ = 	snop  }
0x7: {  	_ = 	snop  }
__scs_overlays_trampoline_lowered:
0x8: {  	[smem:$0x3FAE] =	sst s0  }
0x9: {  	[smem:$0x3FAF] =	sst s1  }
0xa: {  	[smem:$0x3FB0] =	sst s2  }
0xb: {  	[smem:$0x3FB1] =	sst s3  }
0xc: {  	[smem:$0x3FB2] =	sst s4  }
0xd: {  	[smem:$0x3FB3] =	sst s5  }
0xe: {  	[smem:$0x3FB4] =	sst s6  }
0xf: {  	[smem:$0x3FB5] =	sst s7  }
0x10: {  	[smem:$0x3FB6] =	sst s8  }
0x11: {  	[smem:$0x3FB7] =	sst s9;
	s0 =	simm.s32 @!p0 $0x0  }
0x12: {  	s1 =	sld [smem:$0x3F9D];
	s0 =	simm.s32 @p0 $0x1  }
0x13: {  	[smem:$0x3FB8] =	sst s0;
	s0 =	simm.s32 @!p1 $0x0  }
0x14: {  	s2 =	sld [smem:$0x3F9C];
	s0 =	simm.s32 @p1 $0x1  }
0x15: {  	[smem:$0x3FB9] =	sst s0;
	s0 =	simm.s32 @!p2 $0x0  }
0x16: {  	s3 =	sld [smem:$0x3FDB];
	s0 =	simm.s32 @p2 $0x1  }
0x17: {  	s4 =	simm.s32 $0x1BF5;
	[smem:$0x3FBB] =	sst s0  }
0x18: {  	s0 =	sld [smem:$0x3F9E];
	_ =	swait.ge [sflag:s4], $0x0  }
0x19: {  	s7 =	sld [smem:$0x3F9F]  }
0x1a: {  	s8 =	sadd.s32 $0xFFFFE003, lr  }
0x1b: {  	s9 =	sadd.s32 $0xFFFFFEF7, lr;
	s5 =	simm.s32 $0xFFFFFFFF;
	p2 =	slt.u32 s8, $0xFFFFF086  }
0x1c: {  	p1 =	slt.u32 s9, $0xF7A;
	s5 =	simm.s32 @!p2 $0x0  }
0x1d: {  	s5 =	simm.s32 @p1 $0x1;
	p0 =	seq.s32 s7, s2  }
0x1e: {  	s7 =	smul.u32 @!p0 $0xF7A, s2;
	p2 =	seq.s32 @!p0 s5, $0x0  }
0x1f: {  	s9 =	smul.u32 $0xF7A, s1;
	s8 =	simm.s32 @!p0 $0x1BF5;
	p2 =	por !p2, p0  }
0x20: {  	[sflag:s8] =	ssyncset.s32 @!p0 $0xFFFFF086;
	s6 =	sadd.s32 @!p0 s3, s7;
	s7 =	simm.s32 @!p0 $0x108  }
0x21: {  	s3 =	sadd.s32 s3, s9;
	s6 =	sadd.s32 @!p0 $0x88, s6;
	s7 =	simm.s32 @p2 $0x1082  }
0x22: {  	[simem:s7], [sflag:s8] =	dma.local @!p0 [hbm:s6], $0xF7A  }
0x23: {  	s9 =	sor.u32 $0xD0000000, s2;
	s6 =	simm.s32 $0x108;
	_ =	swait.ge @!p0 [sflag:s8], $0x0  }
0x24: {  	s3 =	sadd.s32 $0x88, s3;
	s6 =	simm.s32 @!p1 $0x1082;
	[sflag:s4] =	ssyncset.s32 $0xFFFFF086  }
0x25: {  	[simem:s6], [sflag:s4] =	dma.local [hbm:s3], $0xF7A  }
0x26: {  	[smem:$0x3F9F] =	sst s1;
	(tag) =	ssettag s2;
	_ =	strace s9  }
0x27: {  	s1 =	sld [smem:$0x3FAF]  }
0x28: {  	s2 =	sld [smem:$0x3FB0]  }
0x29: {  	s4 =	sld [smem:$0x3FB2]  }
0x2a: {  	p0 =	seq.s32 s5, $0x0;
	s5 =	sld [smem:$0x3FB3]  }
0x2b: {  	s6 =	sld [smem:$0x3FB4]  }
0x2c: {  	s7 =	sld [smem:$0x3FB5]  }
0x2d: {  	s3 =	simm.s32 $0x108;
	s8 =	sld [smem:$0x3FB6]  }
0x2e: {  	s3 =	simm.s32 @!p0 $0x1082;
	s9 =	sld [smem:$0x3FB7]  }
0x2f: {  	lr =	sadd.s32 s0, s3;
	s0 =	sld [smem:$0x3FAE]  }
0x30: {  	s3 =	sld [smem:$0x3FB1]  }
0x31: {  	[smem:$0x3FBA] =	sst s10  }
0x32: {  	s10 =	sld [smem:$0x3FB8];
	_ =	sdelay $0x3  }
0x33: {  	p0 =	seq.s32 s10, $0x1;
	s10 =	sld [smem:$0x3FBA];
	_ =	sdelay $0x3  }
0x34: {  	[smem:$0x3FBA] =	sst s10  }
0x35: {  	s10 =	sld [smem:$0x3FB9];
	_ =	sdelay $0x3  }
0x36: {  	p1 =	seq.s32 s10, $0x1;
	s10 =	sld [smem:$0x3FBA];
	_ =	sdelay $0x3  }
0x37: {  	[smem:$0x3FBA] =	sst s10  }
0x38: {  	s10 =	sld [smem:$0x3FBB]  }
0x39: {  	_ = 	snop;
	(pc) =	sbr.ind lr, $3  }
0x3a: {  	_ = 	snop  }
0x3b: {  	_ = 	snop  }
0x3c: {  	p2 =	seq.s32 s10, $0x1;
	s10 =	sld [smem:$0x3FBA]  }
0x3d: {  	_ =	shalt  }
0x3e: {  	_ =	shalt  }
0x3f: {  	_ =	shalt  }
0x40: {  	_ =	shalt  }
0x41: {  	_ =	shalt  }
0x42: {  	_ =	shalt  }
0x43: {  	_ =	shalt  }
0x44: {  	_ =	shalt  }
0x45: {  	_ =	shalt  }
0x46: {  	_ =	shalt  }
0x47: {  	_ =	shalt  }
0x48: {  	_ =	shalt  }
0x49: {  	_ =	shalt  }
0x4a: {  	_ =	shalt  }
0x4b: {  	_ =	shalt  }
0x4c: {  	_ =	shalt  }
0x4d: {  	_ =	shalt  }
0x4e: {  	_ =	shalt  }
0x4f: {  	_ =	shalt  }
0x50: {  	_ =	shalt  }
0x51: {  	_ =	shalt  }
0x52: {  	_ =	shalt  }
0x53: {  	_ =	shalt  }
0x54: {  	_ =	shalt  }
0x55: {  	_ =	shalt  }
0x56: {  	_ =	shalt  }
0x57: {  	_ =	shalt  }
0x58: {  	_ =	shalt  }
0x59: {  	_ =	shalt  }
0x5a: {  	_ =	shalt  }
0x5b: {  	_ =	shalt  }
0x5c: {  	_ =	shalt  }
0x5d: {  	_ =	shalt  }
0x5e: {  	_ =	shalt  }
0x5f: {  	_ =	shalt  }
0x60: {  	_ =	shalt  }
0x61: {  	_ =	shalt  }
0x62: {  	_ =	shalt  }
0x63: {  	_ =	shalt  }
0x64: {  	_ =	shalt  }
0x65: {  	_ =	shalt  }
0x66: {  	_ =	shalt  }
0x67: {  	_ =	shalt  }
0x68: {  	_ =	shalt  }
0x69: {  	_ =	shalt  }
0x6a: {  	_ =	shalt  }
0x6b: {  	_ =	shalt  }
0x6c: {  	_ =	shalt  }
0x6d: {  	_ =	shalt  }
0x6e: {  	_ =	shalt  }
0x6f: {  	_ =	shalt  }
0x70: {  	_ =	shalt  }
0x71: {  	_ =	shalt  }
0x72: {  	_ =	shalt  }
0x73: {  	_ =	shalt  }
0x74: {  	_ =	shalt  }
0x75: {  	_ =	shalt  }
0x76: {  	_ =	shalt  }
0x77: {  	_ =	shalt  }
0x78: {  	_ =	shalt  }
0x79: {  	_ =	shalt  }
0x7a: {  	_ =	shalt  }
0x7b: {  	_ =	shalt  }
0x7c: {  	_ =	shalt  }
0x7d: {  	_ =	shalt  }
0x7e: {  	_ =	shalt  }
0x7f: {  	_ =	shalt  }
0x80: {  	_ =	shalt  }
0x81: {  	_ =	shalt  }
0x82: {  	_ =	shalt  }
0x83: {  	_ =	shalt  }
0x84: {  	_ =	shalt  }
0x85: {  	_ =	shalt  }
0x86: {  	_ =	shalt  }
0x87: {  	_ =	shalt  }
.Lfunc_end0:
.L_simem_size_0:
called_computation.1_lowered:
.L_overlay_start_0:
0x88: {  	s2 =	sld [smem:$0x3FD9]  }
0x89: {  	s3 =	sld [smem:$0x3FFE];
	_ =	sdelay $0x1  }
0x8a: {  	s1 =	srdreg.scid  }
0x8b: {  	s0 =	sand.u32 $0x1, s1  }
0x8c: {  	s17 =	sshll.u32 s0, $0xA;
	s2 =	sadd.s32 s3, s2  }
0x8d: {  	s2 =	sadd.s32 s2, s17  }
0x8e: {  	[smem:$0x3FC6] =	sst s2  }
0x8f: {  	_ = 	snop  }
0x90: {  	s2 =	sld [smem:$0x3FD0];
	(tm) =	ssettm $0x1  }
0x91: {  	s18 =	sld [smem:$0x3FFB];
	_ =	sdelay $0x3  }
0x92: {  	_ =	strace s18  }
0x93: {  	s3 =	sld [smem:$0x3FFC];
	_ =	sdelay $0x3  }
0x94: {  	_ =	strace s3  }
0x95: {  	s3 =	sld [smem:$0x3FFD];
	_ =	sdelay $0x3  }
0x96: {  	_ =	strace s3  }
0x97: {  	_ =	strace $0x8FFFFFFF  }
0x98: {  	s19 =	sld [smem:$0x3FDB];
	_ =	sdelay $0x1  }
0x99: {  	s4 =	simm.s32 $_scs_section_size  }
0x9a: {  	s5 =	simm.s32 $_size__tile_overlayer_lowered;
	s6 =	simm.s32 $_tile_overlayer_lowered  }
0x9b: {  	s22 =	simm.s32 $0x1BFF;
	s21 =	sshll.u32 s6, $0x1;
	s3 =	sadd.s32 s4, s19  }
0x9c: {  	s7 =	simm.s32 $0x0;
	s20 =	sshll.u32 s5, $0x1;
	s5 =	sadd.s32 s21, s3  }
0x9d: {  	[timem:s7], [sflag:s22] =	dma.local [hbm:s5], s20  }
0x9e: {  	_ =	swait.ge [sflag:s22], s20  }
0x9f: {  	s4 =	ssub.s32 $0x0, s20;
	[sflag:s22] =	ssyncset.done $0x0  }
0xa0: {  	[sflag:s22] =	ssyncadd.s32 s4;
	_ =	sdelay $0x1  }
0xa1: {  	s23 =	simm.s32 $0x1B8B  }
0xa2: {  	_ =	swait.ge [sflag:s23], $0x1  }
0xa3: {  	[sflag:s23] =	ssyncset.done $0x0  }
0xa4: {  	s25 =	simm.s32 $0x1B8E;
	s24 =	sld [smem:$0x3FFE];
	[sflag:s23] =	ssyncadd.s32 $0xFFFFFFFF  }
0xa5: {  	s26 =	simm.s32 $execute0_lowered;
	[smem:$0x3FD2] =	sst s25  }
0xa6: {  	s5 =	sshll.u32 s26, $0x1;
	_ =	strace $0x80000049;
	[dreg:$0x1] =	wrdreg $0xFFFFFFFF  }
0xa7: {  	s28 =	simm.s32 $_size_execute0_lowered;
	s3 =	sadd.s32 s3, s5;
	[dreg:$0x0] =	wrdreg $0x0  }
0xa8: {  	s5 =	sshll.u32 s28, $0x1;
	[dreg:$0x2] =	wrdreg s3  }
0xa9: {  	[dreg:$0x3] =	wrdreg s5  }
0xaa: {  	[dreg:$0x4] =	wrdreg $0xC0  }
0xab: {  	_ =	task [dreg:s7], $0x5FFFF  }
0xac: {  	[dreg:$0x1] =	wrdreg $0xFFFFFFFF  }
0xad: {  	[dreg:$0x0] =	wrdreg $0x60  }
0xae: {  	[dreg:$0x2] =	wrdreg s24  }
0xaf: {  	[dreg:$0x3] =	wrdreg s2  }
0xb0: {  	[dreg:$0x4] =	wrdreg $0x9  }
0xb1: {  	_ =	task.clear_ibuf [dreg:s7], $0x5FFFF;
	_ =	strace $0x90000049  }
0xb2: {  	s29 =	simm.s32 $0x9;
	_ =	strace $0x8000004B  }
0xb3: {  	_ =	swait.ge [sflag:s29], $0x1  }
0xb4: {  	[sflag:s29] =	ssyncadd.s32 $0xFFFFFFFF  }
0xb5: {  	_ =	strace $0x9000004B  }
0xb6: {  	_ =	sfence  }
0xb7: {  	s30 =	sld [smem:$0x0];
	_ =	sdelay $0x2  }
0xb8: {  	s31 =	sshll.u32 s1, $0xD;
	s1 =	sshrl.u32 s1, $0x2  }
0xb9: {  	s3 =	sand.u32 $0x4000, s31;
	s1 =	sadd.s32 s1, s30  }
0xba: {  	s0 =	sor.u32 s3, s0;
	s1 =	sshll.u32 s1, $0x11  }
0xbb: {  	s0 =	sor.u32 s1, s0  }
0xbc: {  	s0 =	sadd.s32 $0x8F2B, s0  }
0xbd: {  	[sflag:s0] =	ssyncadd.remote.s32 $0x1  }
0xbe: {  	_ =	sfence.sel $0xFFFF  }
0xbf: {  	[dreg:$0x0] =	wrdreg $0xFFFFFFFF;
	(pc) =	sbr.abs _section_cstart, $3  }
0xc0: {  	[dreg:$0x1] =	wrdreg $0xFFFFFFFF  }
0xc1: {  	_ =	task.clear_ibuf [dreg:s7], $0x2FFFF;
	_ =	strace $0x9FFFFFFF  }
0xc2: {  	(tm) =	ssettm $0x7FFFFFFF  }
0xc3: {  	_ =	shalt  }
tec
execute0_lowered:
.L_overlay_start_1:
0x0: {  	(tag) =	ssettag $0x1  }
0x1: {  	v0 =	vimm.s32 $0x18F8;
	vm0 =	vcmask $0x300;
	vm1 =	vcmask $0x704  }
0x2: {  	v1 =	vimm.s32 $0x4378;
	vm2 =	vcmask $0xB08;
	vm3 =	vcmask $0xF0C  }
0x3: {  	vm15 =	vcmask $0x1310;
	v0 =	vsel vm0, $0x0, v0;
	v1 =	vsel vm0, $0x2A80, v1  }
0x4: {  	s6 =	rddreg [dreg:$0x0];
	vm6 =	vcmask $0x1714;
	v0 =	vsel vm1, $0x88, v0;
	v1 =	vsel vm1, $0x2B08, v1  }
0x5: {  	s1 =	rddreg [dreg:$0x1];
	vm7 =	vcmask $0x1B18;
	v0 =	vsel vm2, $0x110, v0;
	v1 =	vsel vm2, $0x2B90, v1  }
0x6: {  	s4 =	srdreg.scid;
	s0 =	stileid.u32;
	vm8 =	vcmask $0x1F1C;
	v0 =	vsel vm3, $0x198, v0;
	v1 =	vsel vm3, $0x2C18, v1  }
0x7: {  	s3 =	simm.s32 $0x0;
	vm9 =	vcmask $0x2320;
	s11 =	simm.s32 $0x200;
	s12 =	simm.s32 $0x400;
	v0 =	vsel vm15, $0x220, v0;
	v1 =	vsel vm15, $0x2CA0, v1  }
0x8: {  	vm10 =	vcmask $0x2724;
	s13 =	simm.s32 $0x4400;
	s14 =	simm.s32 $0x1;
	s15 =	simm.s32 $0x8400;
	v0 =	vsel vm6, $0x2A8, v0;
	v1 =	vsel vm6, $0x2D28, v1  }
0x9: {  	vm11 =	vcmask $0x2B28;
	s16 =	simm.s32 $0x2;
	s5 =	sand.u32 $0x1, s4;
	s26 =	sshll.u32 s0, $0x1;
	v0 =	vsel vm7, $0x330, v0;
	v1 =	vsel vm7, $0x2DB0, v1  }
0xa: {  	vm12 =	vcmask $0x2F2C;
	s17 =	simm.s32 $0xD900;
	s18 =	simm.s32 $0x3;
	s7 =	sor.u32 s5, s26;
	v0 =	vsel vm8, $0x3B8, v0;
	v1 =	vsel vm8, $0x2E38, v1  }
0xb: {  	vm13 =	vcmask $0x3330;
	s19 =	simm.s32 $0x4;
	s20 =	simm.s32 $0x0;
	s8 =	smul.u32 $0x19000, s7;
	v0 =	vsel vm9, $0x1540, v0;
	v1 =	vsel vm9, $0x3FC0, v1  }
0xc: {  	[smem:$0x7FF] =	sst s3;
	s4 =	sadd.s32 $0xF42E00, s6;
	s9 =	sshll.u32 s7, $0xC;
	v0 =	vsel vm10, $0x15C8, v0;
	v1 =	vsel vm10, $0x4048, v1  }
0xd: {  	s6 =	sadd.s32 $0xFA6E00, s6;
	s9 =	sand.u32 $0x3000, s9;
	s8 =	sand.u32 $0x3FC000, s8;
	v0 =	vsel vm11, $0x1650, v0;
	v1 =	vsel vm11, $0x40D0, v1  }
0xe: {  	vm14 =	vcmask $0x3734;
	_ =	strace $0x8000004A;
	s10 =	ssub.s32 $0x2, s5;
	s28 =	sor.u32 s9, s8;
	v0 =	vsel vm12, $0x16D8, v0;
	v1 =	vsel vm12, $0x4158, v1  }
0xf: {  	v2 =	vimm.s32 $0x0;
	s5 =	smul.u32 $0xC8, s7;
	s29 =	sshrl.u32 s10, $0x1;
	s7 =	sshrl.u32 s28, $0x3;
	v0 =	vsel vm13, $0x1760, v0;
	v1 =	vsel vm13, $0x41E0, v1  }
0x10: {  	s30 =	ssub.s32 s10, s29;
	s10 =	simm.s32 $0x5;
	vm15 =	vcmask $0x3B38;
	s31 =	sadd.s32 s4, s7;
	v0 =	vsel vm14, $0x17E8, v0;
	v3 =	vsel vm14, $0x4268, v1  }
0x11: {  	s8 =	sor.u32 $0x2, s5;
	s9 =	smax.u32 s30, $0x1;
	[dreg:$0x3] =	wrdreg s31;
	v1 =	vsel vm0, $0x3, v2;
	v0 =	vsel vm15, $0x1870, v0;
	v2 =	vsel vm15, $0x42F0, v3  }
.LBB2_1:
0x12: {  	s0 =	rddreg [dreg:$0x3]  }
0x13: {  	[tilespmem:s3], [sflag:$0x5] =	stream.linear.gather [hbm4b:s0+s3], $0x200, $0x38;
	[tilespmem:$0x12E00] =	vst v63  }
0x14: {  	_ =	swait.ge [sflag:s10], $0x200  }
0x15: {  	[sflag:s10] =	ssyncset.done $0x0  }
0x16: {  	s21 =	simm.s32 $0x40;
	[sflag:s10] =	ssyncadd.s32 $0xFFFFFE00  }
0x17: {  	v6 =	vld [tilespmem:s21+$0x30]  }
0x18: {  	v7 =	vld [tilespmem:s21+$0xFFFFFFD0]  }
0x19: {  	v8 =	vld [tilespmem:s21+$0xFFFFFFE0]  }
0x1a: {  	v5 =	vld [tilespmem:s21+$0xFFFFFFF0]  }
0x1b: {  	v4 =	vld [tilespmem:s21+$0x0]  }
0x1c: {  	v3 =	vld [tilespmem:s21+$0x10];
	v9 =	vshll.u32 v6, $0x2  }
0x1d: {  	v10 =	vshll.u32 v7, $0x2;
	v6 =	vld [tilespmem:s21+$0x20];
	[tilespmem:s21+$0x30] =	vst v9  }
0x1e: {  	s22 =	simm.s32 $0x0;
	s23 =	simm.s32 $0xC0;
	v7 =	vld [tilespmem:s21+$0xFFFFFFC0];
	v8 =	vshll.u32 v8, $0x2;
	[tilespmem:s21+$0xFFFFFFD0] =	vst v10  }
.LBB2_2:
0x1f: {  	v9 =	vld [tilespmem:s23+$0x30];
	s22 =	sadd.s32 $0x8, s22;
	[tilespmem:s21+$0xFFFFFFE0] =	vst v8;
	v5 =	vshll.u32 v5, $0x2  }
0x20: {  	v8 =	vld [tilespmem:s23+$0xFFFFFFD0];
	p0 =	slt.u32 s22, $0x18;
	[tilespmem:s21+$0xFFFFFFF0] =	vst v5;
	v4 =	vshll.u32 v4, $0x2  }
0x21: {  	v10 =	vld [tilespmem:s23+$0xFFFFFFE0];
	[tilespmem:s21+$0x0] =	vst v4;
	v3 =	vshll.u32 v3, $0x2  }
.Ltmp0:
0x22: {  	v5 =	vld [tilespmem:s23+$0xFFFFFFF0];
	[tilespmem:s21+$0x10] =	vst v3;
	v3 =	vshll.u32 v6, $0x2;
	(pc) =	sbr.rel @p0 .LBB2_2-.Ltmp0, $4  }
0x23: {  	v4 =	vld [tilespmem:s23+$0x0];
	v6 =	vshll.u32 v7, $0x2;
	[tilespmem:s21+$0x20] =	vst v3  }
0x24: {  	v3 =	vld [tilespmem:s23+$0x10];
	v7 =	vshll.u32 v9, $0x2;
	[tilespmem:s21+$0xFFFFFFC0] =	vst v6;
	s21 =	smov.u32 s23  }
0x25: {  	v8 =	vshll.u32 v8, $0x2;
	v6 =	vld [tilespmem:s23+$0x20];
	[tilespmem:s23+$0x30] =	vst v7  }
0x26: {  	s23 =	sadd.s32 $0x80, s23;
	v7 =	vld [tilespmem:s21+$0xFFFFFFC0];
	[tilespmem:s21+$0xFFFFFFD0] =	vst v8;
	v8 =	vshll.u32 v10, $0x2  }
0x27: {  	[tilespmem:s21+$0xFFFFFFE0] =	vst v8;
	v5 =	vshll.u32 v5, $0x2  }
0x28: {  	[tilespmem:s21+$0xFFFFFFF0] =	vst v5;
	v4 =	vshll.u32 v4, $0x2  }
0x29: {  	[tilespmem:s21+$0x0] =	vst v4;
	v3 =	vshll.u32 v3, $0x2  }
0x2a: {  	[tilespmem:s21+$0x10] =	vst v3;
	v3 =	vshll.u32 v6, $0x2  }
0x2b: {  	v63 =	vshll.u32 v7, $0x2;
	[tilespmem:s21+$0x20] =	vst v3  }
0x2c: {  	[tilespmem:s21+$0xFFFFFFC0] =	vst v63;
	s21 =	simm.s32 $0x0  }
0x2d: {  	[tilespmem:s12], [sflag:$0x1] =	stream.indirect.gather [hbm4b:s6+s11], $0x20, s21, s11, $0xb8;
	[tilespmem:$0x12E00] =	vst v63  }
.LBB2_4:
0x2e: {  	s24 =	sshll.u32 s21, $0x1  }
0x2f: {  	s22 =	sadd.s32 s24, s5  }
0x30: {  	s23 =	sadd.s32 $0x1, s22  }
0x31: {  	p0 =	seq.s32 s21, $0x0;
	s22 =	sshrl.u32 s23, $0x5;
	s23 =	sshll.u32 s23, $0x9  }
0x32: {  	s25 =	simm.s32 @!p0 $0x4;
	s23 =	sand.u32 $0x3E00, s23;
	s26 =	sshll.u32 s22, $0xE  }
0x33: {  	_ =	swait.ge @!p0 [sflag:s25], $0x4000;
	s26 =	sor.u32 s23, s26  }
0x34: {  	[sflag:s25] =	ssyncset.done @!p0 $0x0;
	s26 =	sshrl.u32 s26, $0x3  }
0x35: {  	[sflag:s25] =	ssyncadd.s32 @!p0 $0xFFFFC000;
	s31 =	sadd.s32 s4, s26  }
0x36: {  	[tilespmem:s11], [sflag:$0x5] =	stream.linear.gather [hbm4b:s31+s3], $0x200, $0x38;
	[tilespmem:$0x12E00] =	vst v63  }
0x37: {  	_ =	swait.ge [sflag:s10], $0x200  }
0x38: {  	[sflag:s10] =	ssyncset.done $0x0  }
0x39: {  	s25 =	simm.s32 $0x270;
	[sflag:s10] =	ssyncadd.s32 $0xFFFFFE00  }
0x3a: {  	v6 =	vld [tilespmem:s25+$0x0]  }
0x3b: {  	v7 =	vld [tilespmem:s25+$0xFFFFFFA0]  }
0x3c: {  	v8 =	vld [tilespmem:s25+$0xFFFFFFB0]  }
0x3d: {  	v5 =	vld [tilespmem:s25+$0xFFFFFFC0]  }
0x3e: {  	v4 =	vld [tilespmem:s25+$0xFFFFFFD0]  }
0x3f: {  	v3 =	vld [tilespmem:s25+$0xFFFFFFE0];
	v9 =	vshll.u32 v6, $0x2  }
0x40: {  	v10 =	vshll.u32 v7, $0x2;
	v6 =	vld [tilespmem:s25+$0xFFFFFFF0];
	[tilespmem:s25+$0x0] =	vst v9  }
0x41: {  	s28 =	simm.s32 $0x2F0;
	s26 =	simm.s32 $0x0;
	v7 =	vld [tilespmem:s25+$0xFFFFFF90];
	v8 =	vshll.u32 v8, $0x2;
	[tilespmem:s25+$0xFFFFFFA0] =	vst v10  }
.LBB2_5:
0x42: {  	v9 =	vld [tilespmem:s28+$0x0];
	s26 =	sadd.s32 $0x8, s26;
	[tilespmem:s25+$0xFFFFFFB0] =	vst v8;
	v5 =	vshll.u32 v5, $0x2  }
0x43: {  	v8 =	vld [tilespmem:s28+$0xFFFFFFA0];
	p1 =	slt.u32 s26, $0x18;
	[tilespmem:s25+$0xFFFFFFC0] =	vst v5;
	v4 =	vshll.u32 v4, $0x2  }
0x44: {  	v10 =	vld [tilespmem:s28+$0xFFFFFFB0];
	[tilespmem:s25+$0xFFFFFFD0] =	vst v4;
	v3 =	vshll.u32 v3, $0x2  }
.Ltmp1:
0x45: {  	v5 =	vld [tilespmem:s28+$0xFFFFFFC0];
	[tilespmem:s25+$0xFFFFFFE0] =	vst v3;
	v3 =	vshll.u32 v6, $0x2;
	(pc) =	sbr.rel @p1 .LBB2_5-.Ltmp1, $4  }
0x46: {  	v4 =	vld [tilespmem:s28+$0xFFFFFFD0];
	v6 =	vshll.u32 v7, $0x2;
	[tilespmem:s25+$0xFFFFFFF0] =	vst v3  }
0x47: {  	v3 =	vld [tilespmem:s28+$0xFFFFFFE0];
	v7 =	vshll.u32 v9, $0x2;
	[tilespmem:s25+$0xFFFFFF90] =	vst v6;
	s25 =	smov.u32 s28  }
0x48: {  	v8 =	vshll.u32 v8, $0x2;
	v6 =	vld [tilespmem:s28+$0xFFFFFFF0];
	[tilespmem:s28+$0x0] =	vst v7  }
0x49: {  	s28 =	sadd.s32 $0x80, s28;
	v7 =	vld [tilespmem:s25+$0xFFFFFF90];
	[tilespmem:s25+$0xFFFFFFA0] =	vst v8;
	v8 =	vshll.u32 v10, $0x2  }
0x4a: {  	[tilespmem:s25+$0xFFFFFFB0] =	vst v8;
	v5 =	vshll.u32 v5, $0x2  }
0x4b: {  	[tilespmem:s25+$0xFFFFFFC0] =	vst v5;
	v4 =	vshll.u32 v4, $0x2  }
0x4c: {  	[tilespmem:s25+$0xFFFFFFD0] =	vst v4;
	v3 =	vshll.u32 v3, $0x2  }
0x4d: {  	s26 =	simm.s32 $0x0;
	[tilespmem:s25+$0xFFFFFFE0] =	vst v3;
	v3 =	vshll.u32 v6, $0x2  }
0x4e: {  	s29 =	simm.s32 $0x1;
	s30 =	simm.s32 $0x7;
	s31 =	simm.s32 $0x6;
	v4 =	vshll.u32 v7, $0x2;
	[tilespmem:s25+$0xFFFFFFF0] =	vst v3  }
0x4f: {  	s7 =	sand.u32 $0x78, s30;
	s0 =	sand.u32 $0x78, s31;
	[tilespmem:s25+$0xFFFFFF90] =	vst v4;
	s25 =	simm.s32 $0x0  }
0x50: {  	v5 =	vmov s7;
	[tilespmem:s13], [sflag:$0x2] =	stream.indirect.gather [hbm4b:s6+s11], $0x20, s11, s11, $0xb8;
	[tilespmem:$0x12E00] =	vst v63  }
0x51: {  	s2 =	simm.s32 $0x4;
	s7 =	simm.s32 $0x2;
	v9 =	vmov s0;
	v5 =	vshrl.u32 v5, $0x3;
	v3 =	vmov s26;
	s28 =	sand.u32 $0x78, s25  }
0x52: {  	s31 =	sand.u32 $0x78, s7;
	v9 =	vshrl.u32 v9, $0x3;
	v3 =	vmul.u32 $0x440, v3;
	_ =	swait.ge [sflag:s14], $0x4000;
	v4 =	vmov s28;
	s28 =	sand.u32 $0x78, s29  }
0x53: {  	s26 =	sand.u32 $0x78, s2;
	v11 =	vmov s31;
	v5 =	vshll.u32 v5, v1;
	v6 =	vmov s28;
	s28 =	simm.s32 $0x3;
	[sflag:s14] =	ssyncset.done $0x0  }
0x54: {  	v7 =	vmov s26;
	v3 =	vbroadcast v3, $0x0;
	v4 =	vshrl.u32 v4, $0x3;
	s2 =	sand.u32 $0x78, s28;
	[sflag:s14] =	ssyncadd.s32 $0xFFFFC000;
	s28 =	simm.s32 @!p0 $0x3  }
0x55: {  	v11 =	vshrl.u32 v11, $0x3;
	v4 =	vshll.u32 v4, v1;
	v6 =	vshrl.u32 v6, $0x3;
	_ =	swait.ge @!p0 [sflag:s28], $0x4000  }
0x56: {  	v10 =	vadd.s32 v0, v3;
	v4 =	vbroadcast v4, $0x0;
	v6 =	vshll.u32 v6, v1;
	[sflag:s28] =	ssyncset.done @!p0 $0x0  }
0x57: {  	s26 =	simm.s32 $0x480;
	v3 =	vadd.s32 v2, v3;
	v8 =	vmov s2;
	v19 =	vbroadcast v6, $0x0;
	[sflag:s28] =	ssyncadd.s32 @!p0 $0xFFFFC000  }
0x58: {  	v6 =	vshrl.u32 v7, $0x3;
	v8 =	vshrl.u32 v8, $0x3;
	v13 =	vadd.s32 v4, v10;
	v12 =	vld [tilespmem:s26+$0xFFFFFF80]  }
0x59: {  	s28 =	simm.s32 $0x5;
	v16 =	vadd.s32 v4, v3;
	v4 =	vshll.u32 v6, v1;
	v6 =	vshll.u32 v9, v1  }
0x5a: {  	v8 =	vshll.u32 v8, v1;
	s28 =	sand.u32 $0x78, s28;
	v7 =	vadd.s32 v10, v19;
	v6 =	vbroadcast v6, $0x0  }
0x5b: {  	v14 =	vld [tilespmem:s26+$0xFFFFFFA0];
	v17 =	vbroadcast v4, $0x0;
	v9 =	vmov s28;
	v15 =	vor.u32 $0x1, v7  }
0x5c: {  	v4 =	vld [tilespmem:s26+$0xFFFFFFC0];
	v7 =	vbroadcast v5, $0x0;
	v5 =	vshll.u32 v11, v1;
	v11 =	vadd.s32 v10, v6  }
0x5d: {  	v18 =	vld [tilespmem:s26+$0x40];
	v23 =	vbroadcast v8, $0x0;
	v9 =	vshrl.u32 v9, $0x3;
	v11 =	vor.u32 $0x6, v11;
	[tilespmem:v13+s15+$0x0] =	vst.idx.msk $0xffff, v12  }
0x5e: {  	v22 =	vadd.s32 v3, v17;
	v8 =	vadd.s32 v3, v6;
	v12 =	vadd.s32 v10, v17;
	v20 =	vld [tilespmem:s26+$0xFFFFFF90]  }
0x5f: {  	v24 =	vld [tilespmem:s26+$0x0];
	v25 =	vbroadcast v5, $0x0;
	v9 =	vshll.u32 v9, v1;
	v21 =	vor.u32 $0x4, v12  }
0x60: {  	v5 =	vor.u32 $0x6, v8;
	v8 =	vadd.s32 v10, v7;
	v13 =	vld [tilespmem:s26+$0xFFFFFFE0];
	v12 =	vbroadcast v9, $0x0  }
0x61: {  	v17 =	vor.u32 $0x7, v8;
	v8 =	vadd.s32 v10, v25;
	[tilespmem:v15+s15+$0x0] =	vst.idx.msk $0xffff, v14;
	v14 =	vadd.s32 v10, v23;
	v15 =	vld [tilespmem:s26+$0x60]  }
0x62: {  	v6 =	vld [tilespmem:s26+$0xFFFFFFB0];
	v14 =	vor.u32 $0x3, v14;
	v9 =	vadd.s32 v3, v12;
	v12 =	vadd.s32 v10, v12;
	[tilespmem:v11+s15+$0x0] =	vst.idx.msk $0xffff, v18  }
0x63: {  	v11 =	vor.u32 $0x2, v8;
	v18 =	vadd.s32 v3, v25;
	v8 =	vor.u32 $0x4, v22;
	v10 =	vld [tilespmem:s26+$0x50];
	[tilespmem:v16+s15+$0x0] =	vst.idx.msk $0xffff, v20  }
0x64: {  	s28 =	simm.s32 $0x580;
	v12 =	vor.u32 $0x5, v12;
	v16 =	vld [tilespmem:s26+$0x20];
	v20 =	vadd.s32 v3, v19;
	v19 =	vadd.s32 v3, v23;
	[tilespmem:v21+s15+$0x0] =	vst.idx.msk $0xffff, v24  }
.LBB2_7:
0x65: {  	s29 =	sadd.s32 $0x9, s25  }
0x66: {  	s30 =	sadd.s32 $0xF, s25;
	v20 =	vor.u32 $0x1, v20;
	v21 =	vld [tilespmem:s26+$0x10];
	v3 =	vadd.s32 v3, v7;
	s31 =	smov.u32 s25;
	s25 =	sadd.s32 $0x8, s25  }
0x67: {  	v7 =	vor.u32 $0x2, v18;
	v18 =	vor.u32 $0x3, v19;
	s0 =	sshrl.u32 s25, $0x7;
	s2 =	sand.u32 $0x78, s25;
	s7 =	sadd.s32 $0xC, s31;
	[tilespmem:v17+s15+$0x0] =	vst.idx.msk $0xffff, v15;
	v15 =	vor.u32 $0x7, v3  }
0x68: {  	v9 =	vor.u32 $0x5, v9;
	v3 =	vmov s0;
	v17 =	vmov s2;
	s0 =	sand.u32 $0x78, s29;
	s2 =	sadd.s32 $0xE, s31;
	s29 =	sand.u32 $0x78, s30;
	[tilespmem:v14+s15+$0x0] =	vst.idx.msk $0xffff, v13  }
0x69: {  	s7 =	sand.u32 $0x78, s7;
	s30 =	sadd.s32 $0xD, s31;
	v13 =	vshrl.u32 v17, $0x3;
	v3 =	vmul.u32 $0x440, v3;
	s2 =	sand.u32 $0x78, s2;
	v14 =	vmov s29;
	[tilespmem:v12+s15+$0x0] =	vst.idx.msk $0xffff, v16;
	v12 =	vld [tilespmem:s26+$0x70]  }
0x6a: {  	v16 =	vmov s0;
	s0 =	sadd.s32 $0xA, s31;
	s29 =	sadd.s32 $0xB, s31;
	v17 =	vmov s7;
	s7 =	sand.u32 $0x78, s30;
	v13 =	vshll.u32 v13, v1;
	[tilespmem:v11+s15+$0x0] =	vst.idx.msk $0xffff, v4;
	v4 =	vld [tilespmem:s26+$0x30]  }
0x6b: {  	p0 =	slt.u32 s25, $0x1F8;
	s0 =	sand.u32 $0x78, s0;
	s29 =	sand.u32 $0x78, s29;
	v3 =	vbroadcast v3, $0x0;
	v11 =	vbroadcast v13, $0x0;
	v13 =	vshrl.u32 v16, $0x3;
	[tilespmem:v20+s15+$0x0] =	vst.idx.msk $0xffff, v6;
	v6 =	vld [tilespmem:s26+$0xFFFFFFD0]  }
0x6c: {  	v19 =	vmov s2;
	v14 =	vshrl.u32 v14, $0x3;
	v16 =	vmov s29;
	v20 =	vld [tilespmem:s26+$0xFFFFFFF0];
	[tilespmem:v5+s15+$0x0] =	vst.idx.msk $0xffff, v10;
	s26 =	smov.u32 s28  }
0x6d: {  	v5 =	vshrl.u32 v19, $0x3;
	v10 =	vadd.s32 v0, v3;
	v3 =	vadd.s32 v2, v3;
	[tilespmem:v8+s15+$0x0] =	vst.idx.msk $0xffff, v21  }
0x6e: {  	v14 =	vshll.u32 v14, v1;
	v8 =	vshll.u32 v13, v1;
	v13 =	vmov s0;
	[tilespmem:v15+s15+$0x0] =	vst.idx.msk $0xffff, v12  }
0x6f: {  	v19 =	vadd.s32 v11, v3;
	v21 =	vbroadcast v8, $0x0;
	v8 =	vshrl.u32 v17, $0x3;
	[tilespmem:v9+s15+$0x0] =	vst.idx.msk $0xffff, v4  }
0x70: {  	v5 =	vshll.u32 v5, v1;
	v11 =	vadd.s32 v11, v10;
	v4 =	vshll.u32 v8, v1;
	v9 =	vld [tilespmem:s28+$0xFFFFFF80]  }
0x71: {  	v12 =	vshrl.u32 v16, $0x3;
	v15 =	vmov s7;
	v8 =	vadd.s32 v10, v21;
	[tilespmem:v18+s15+$0x0] =	vst.idx.msk $0xffff, v20  }
0x72: {  	v5 =	vbroadcast v5, $0x0;
	v15 =	vshrl.u32 v15, $0x3;
	v8 =	vor.u32 $0x1, v8;
	v16 =	vld [tilespmem:s28+$0xFFFFFFA0];
	[tilespmem:v7+s15+$0x0] =	vst.idx.msk $0xffff, v6  }
0x73: {  	v6 =	vshrl.u32 v13, $0x3;
	v13 =	vbroadcast v4, $0x0;
	v7 =	vbroadcast v14, $0x0  }
0x74: {  	v14 =	vshll.u32 v15, v1;
	v15 =	vadd.s32 v10, v5;
	v6 =	vshll.u32 v6, v1;
	v4 =	vld [tilespmem:s28+$0xFFFFFFC0]  }
0x75: {  	v20 =	vor.u32 $0x6, v15;
	[tilespmem:v11+s15+$0x0] =	vst.idx.msk $0xffff, v9;
	v9 =	vshll.u32 v12, v1;
	v11 =	vadd.s32 v10, v13;
	v18 =	vld [tilespmem:s28+$0x40]  }
0x76: {  	v24 =	vadd.s32 v3, v13;
	v22 =	vld [tilespmem:s28+$0xFFFFFF90];
	v23 =	vor.u32 $0x4, v11;
	v11 =	vbroadcast v14, $0x0  }
0x77: {  	v5 =	vadd.s32 v3, v5;
	v25 =	vbroadcast v9, $0x0;
	[tilespmem:v8+s15+$0x0] =	vst.idx.msk $0xffff, v16;
	v8 =	vbroadcast v6, $0x0;
	v26 =	vld [tilespmem:s28+$0x0]  }
.Ltmp2:
0x78: {  	v5 =	vor.u32 $0x6, v5;
	v12 =	vadd.s32 v10, v7;
	v6 =	vld [tilespmem:s28+$0xFFFFFFB0];
	v9 =	vadd.s32 v3, v11;
	(pc) =	sbr.rel @p0 .LBB2_7-.Ltmp2, $4  }
0x79: {  	v17 =	vor.u32 $0x7, v12;
	v14 =	vadd.s32 v10, v25;
	v11 =	vadd.s32 v10, v11;
	v15 =	vld [tilespmem:s28+$0x60]  }
0x7a: {  	v10 =	vadd.s32 v10, v8;
	v14 =	vor.u32 $0x3, v14;
	v12 =	vor.u32 $0x5, v11;
	v13 =	vld [tilespmem:s28+$0xFFFFFFE0];
	[tilespmem:v20+s15+$0x0] =	vst.idx.msk $0xffff, v18  }
0x7b: {  	v11 =	vor.u32 $0x2, v10;
	v18 =	vadd.s32 v3, v8;
	v8 =	vor.u32 $0x4, v24;
	[tilespmem:v19+s15+$0x0] =	vst.idx.msk $0xffff, v22;
	v16 =	vld [tilespmem:s28+$0x20]  }
0x7c: {  	v20 =	vadd.s32 v3, v21;
	v19 =	vadd.s32 v3, v25;
	s28 =	sadd.s32 $0x100, s28;
	[tilespmem:v23+s15+$0x0] =	vst.idx.msk $0xffff, v26;
	v10 =	vld [tilespmem:s26+$0x50]  }
0x7d: {  	_ =	sdelay $0x3  }
0x7e: {  	v20 =	vor.u32 $0x1, v20;
	[tilespmem:v11+s15+$0x0] =	vst.idx.msk $0xffff, v4  }
0x7f: {  	v57 =	vld [tilespmem:s26+$0x10];
	[tilespmem:v17+s15+$0x0] =	vst.idx.msk $0xffff, v15  }
0x80: {  	v3 =	vadd.s32 v3, v7;
	v62 =	vor.u32 $0x2, v18;
	v63 =	vld [tilespmem:s26+$0xFFFFFFD0];
	[tilespmem:v14+s15+$0x0] =	vst.idx.msk $0xffff, v13  }
0x81: {  	v3 =	vor.u32 $0x7, v3;
	v58 =	vld [tilespmem:s26+$0x70];
	[tilespmem:v12+s15+$0x0] =	vst.idx.msk $0xffff, v16  }
0x82: {  	v60 =	vor.u32 $0x3, v19;
	v61 =	vld [tilespmem:s26+$0xFFFFFFF0];
	[tilespmem:v5+s15+$0x0] =	vst.idx.msk $0xffff, v10  }
0x83: {  	v9 =	vor.u32 $0x5, v9;
	s0 =	sadd.s32 s5, s24;
	v59 =	vld [tilespmem:s26+$0x30];
	[tilespmem:v20+s15+$0x0] =	vst.idx.msk $0xffff, v6  }
0x84: {  	s2 =	sshll.u32 s0, $0x9;
	[tilespmem:v8+s15+$0x0] =	vst.idx.msk $0xffff, v57  }
0x85: {  	s0 =	sshll.u32 s0, $0xB;
	s2 =	sand.u32 $0x3C00, s2;
	[tilespmem:v62+s15+$0x0] =	vst.idx.msk $0xffff, v63  }
0x86: {  	s0 =	sand.u32 $0xFFF0000, s0;
	s2 =	sadd.s32 s1, s2;
	[tilespmem:v3+s15+$0x0] =	vst.idx.msk $0xffff, v58  }
0x87: {  	s28 =	simm.s32 $0x10;
	s25 =	sadd.s32 s0, s2;
	[tilespmem:v60+s15+$0x0] =	vst.idx.msk $0xffff, v61  }
0x88: {  	s29 =	simm.s32 $0x8488;
	s26 =	simm.s32 $0x8400;
	s30 =	sadd.s32 $0x0, s25;
	[tilespmem:v9+s15+$0x0] =	vst.idx.msk $0xffff, v59  }
.LBB2_9:
0x89: {  	[hbm4b:s30+s3] =	stream.linear.scatter [tilespmem:s26], [sflag:$0x3], $0x80, $0x38;
	[tilespmem:$0x12E00] =	vst v63  }
0x8a: {  	s0 =	smov.u32 s28;
	s26 =	smov.u32 s29;
	p0 =	sne.s32 s28, $0x1F0  }
.Ltmp3:
0x8b: {  	s28 =	sadd.s32 $0x10, s28;
	(pc) =	sbr.rel @p0 .LBB2_9-.Ltmp3, $2  }
0x8c: {  	_ =	sdelay $0x2  }
0x8d: {  	s29 =	sadd.s32 $0x88, s29;
	s30 =	sadd.s32 s0, s25  }
0x8e: {  	[hbm4b:s30+s3] =	stream.linear.scatter [tilespmem:s26], [sflag:$0x3], $0x80, $0x38;
	[tilespmem:$0x12E00] =	vst v63  }
0x8f: {  	s26 =	sadd.s32 $0x4000, s25;
	s28 =	simm.s32 $0x9940  }
0x90: {  	s29 =	simm.s32 $0x10;
	s30 =	simm.s32 $0x99C8;
	s31 =	sadd.s32 $0x0, s26  }
.LBB2_11:
0x91: {  	[hbm4b:s31+s3] =	stream.linear.scatter [tilespmem:s28], [sflag:$0x3], $0x80, $0x38;
	[tilespmem:$0x12E00] =	vst v63  }
0x92: {  	s0 =	smov.u32 s29;
	s28 =	smov.u32 s30;
	p0 =	sne.s32 s29, $0x1F0  }
.Ltmp4:
0x93: {  	s29 =	sadd.s32 $0x10, s29;
	(pc) =	sbr.rel @p0 .LBB2_11-.Ltmp4, $2  }
0x94: {  	_ =	sdelay $0x2  }
0x95: {  	s30 =	sadd.s32 $0x88, s30;
	s31 =	sadd.s32 s0, s26  }
0x96: {  	[hbm4b:s31+s3] =	stream.linear.scatter [tilespmem:s28], [sflag:$0x3], $0x80, $0x38;
	[tilespmem:$0x12E00] =	vst v63  }
0x97: {  	s26 =	sadd.s32 $0x8000, s25;
	s28 =	simm.s32 $0xAE80  }
0x98: {  	s29 =	simm.s32 $0x10;
	s30 =	simm.s32 $0xAF08;
	s31 =	sadd.s32 $0x0, s26  }
.LBB2_13:
0x99: {  	[hbm4b:s31+s3] =	stream.linear.scatter [tilespmem:s28], [sflag:$0x3], $0x80, $0x38;
	[tilespmem:$0x12E00] =	vst v63  }
0x9a: {  	s0 =	smov.u32 s29;
	s28 =	smov.u32 s30;
	p0 =	sne.s32 s29, $0x1F0  }
.Ltmp5:
0x9b: {  	s29 =	sadd.s32 $0x10, s29;
	(pc) =	sbr.rel @p0 .LBB2_13-.Ltmp5, $2  }
0x9c: {  	_ =	sdelay $0x2  }
0x9d: {  	s30 =	sadd.s32 $0x88, s30;
	s31 =	sadd.s32 s0, s26  }
0x9e: {  	[hbm4b:s31+s3] =	stream.linear.scatter [tilespmem:s28], [sflag:$0x3], $0x80, $0x38;
	[tilespmem:$0x12E00] =	vst v63  }
0x9f: {  	s25 =	sadd.s32 $0xC000, s25;
	s26 =	simm.s32 $0xC3C0  }
0xa0: {  	s28 =	simm.s32 $0x10;
	s29 =	simm.s32 $0xC448;
	s30 =	sadd.s32 $0x0, s25  }
.LBB2_15:
0xa1: {  	[hbm4b:s30+s3] =	stream.linear.scatter [tilespmem:s26], [sflag:$0x3], $0x80, $0x38;
	[tilespmem:$0x12E00] =	vst v63  }
0xa2: {  	s0 =	smov.u32 s28;
	s26 =	smov.u32 s29;
	p0 =	sne.s32 s28, $0x1F0  }
.Ltmp6:
0xa3: {  	s28 =	sadd.s32 $0x10, s28;
	(pc) =	sbr.rel @p0 .LBB2_15-.Ltmp6, $2  }
0xa4: {  	_ =	sdelay $0x2  }
0xa5: {  	s29 =	sadd.s32 $0x88, s29;
	s30 =	sadd.s32 s0, s25  }
0xa6: {  	p0 =	seq.s32 s21, $0x63  }
.Ltmp7:
0xa7: {  	_ = 	snop;
	(pc) =	sbr.rel @p0 .LBB2_20-.Ltmp7, $2  }
0xa8: {  	_ =	sdelay $0x2  }
0xa9: {  	[hbm4b:s30+s3] =	stream.linear.scatter [tilespmem:s26], [sflag:$0x3], $0x80, $0x38;
	[tilespmem:$0x12E00] =	vst v63  }
0xaa: {  	s0 =	sadd.s32 s24, s8  }
0xab: {  	s0 =	sshll.u32 s0, $0x6  }
0xac: {  	s0 =	sand.u32 $0xFFFFF80, s0  }
0xad: {  	s0 =	sadd.s32 s4, s0  }
0xae: {  	[tilespmem:s3], [sflag:$0x5] =	stream.linear.gather [hbm4b:s0+s3], $0x200, $0x38;
	[tilespmem:$0x12E00] =	vst v63  }
0xaf: {  	_ =	swait.ge [sflag:s10], $0x200  }
0xb0: {  	[sflag:s10] =	ssyncset.done $0x0  }
0xb1: {  	s24 =	simm.s32 $0x40;
	[sflag:s10] =	ssyncadd.s32 $0xFFFFFE00  }
0xb2: {  	v6 =	vld [tilespmem:s24+$0x30]  }
0xb3: {  	v7 =	vld [tilespmem:s24+$0xFFFFFFD0]  }
0xb4: {  	v8 =	vld [tilespmem:s24+$0xFFFFFFE0]  }
0xb5: {  	v5 =	vld [tilespmem:s24+$0xFFFFFFF0]  }
0xb6: {  	v4 =	vld [tilespmem:s24+$0x0]  }
0xb7: {  	v3 =	vld [tilespmem:s24+$0x10];
	v9 =	vshll.u32 v6, $0x2  }
0xb8: {  	v10 =	vshll.u32 v7, $0x2;
	v6 =	vld [tilespmem:s24+$0x20];
	[tilespmem:s24+$0x30] =	vst v9  }
0xb9: {  	s25 =	simm.s32 $0x0;
	s26 =	simm.s32 $0xC0;
	v7 =	vld [tilespmem:s24+$0xFFFFFFC0];
	v8 =	vshll.u32 v8, $0x2;
	[tilespmem:s24+$0xFFFFFFD0] =	vst v10  }
.LBB2_18:
0xba: {  	v9 =	vld [tilespmem:s26+$0x30];
	s25 =	sadd.s32 $0x8, s25;
	[tilespmem:s24+$0xFFFFFFE0] =	vst v8;
	v5 =	vshll.u32 v5, $0x2  }
0xbb: {  	v8 =	vld [tilespmem:s26+$0xFFFFFFD0];
	p0 =	slt.u32 s25, $0x18;
	[tilespmem:s24+$0xFFFFFFF0] =	vst v5;
	v4 =	vshll.u32 v4, $0x2  }
0xbc: {  	v10 =	vld [tilespmem:s26+$0xFFFFFFE0];
	[tilespmem:s24+$0x0] =	vst v4;
	v3 =	vshll.u32 v3, $0x2  }
.Ltmp8:
0xbd: {  	v5 =	vld [tilespmem:s26+$0xFFFFFFF0];
	[tilespmem:s24+$0x10] =	vst v3;
	v3 =	vshll.u32 v6, $0x2;
	(pc) =	sbr.rel @p0 .LBB2_18-.Ltmp8, $4  }
0xbe: {  	v4 =	vld [tilespmem:s26+$0x0];
	v6 =	vshll.u32 v7, $0x2;
	[tilespmem:s24+$0x20] =	vst v3  }
0xbf: {  	v3 =	vld [tilespmem:s26+$0x10];
	v7 =	vshll.u32 v9, $0x2;
	[tilespmem:s24+$0xFFFFFFC0] =	vst v6;
	s24 =	smov.u32 s26  }
0xc0: {  	v8 =	vshll.u32 v8, $0x2;
	v6 =	vld [tilespmem:s26+$0x20];
	[tilespmem:s26+$0x30] =	vst v7  }
0xc1: {  	s26 =	sadd.s32 $0x80, s26;
	v7 =	vld [tilespmem:s24+$0xFFFFFFC0];
	[tilespmem:s24+$0xFFFFFFD0] =	vst v8;
	v8 =	vshll.u32 v10, $0x2  }
0xc2: {  	[tilespmem:s24+$0xFFFFFFE0] =	vst v8;
	v5 =	vshll.u32 v5, $0x2  }
0xc3: {  	[tilespmem:s24+$0xFFFFFFF0] =	vst v5;
	v4 =	vshll.u32 v4, $0x2  }
0xc4: {  	[tilespmem:s24+$0x0] =	vst v4;
	v3 =	vshll.u32 v3, $0x2  }
0xc5: {  	[tilespmem:s24+$0x10] =	vst v3;
	v3 =	vshll.u32 v6, $0x2  }
0xc6: {  	v63 =	vshll.u32 v7, $0x2;
	[tilespmem:s24+$0x20] =	vst v3  }
0xc7: {  	[tilespmem:s24+$0xFFFFFFC0] =	vst v63  }
0xc8: {  	[tilespmem:s12], [sflag:$0x1] =	stream.indirect.gather [hbm4b:s6+s11], $0x20, s3, s11, $0xb8;
	[tilespmem:$0x12E00] =	vst v63  }
.LBB2_20:
0xc9: {  	s24 =	simm.s32 $0x0;
	s0 =	simm.s32 $0x0;
	s7 =	simm.s32 $0x1  }
0xca: {  	s25 =	simm.s32 $0x7;
	s28 =	simm.s32 $0x4;
	s31 =	simm.s32 $0x6  }
0xcb: {  	s2 =	sand.u32 $0x78, s24;
	v3 =	vmov s0;
	s29 =	sand.u32 $0x78, s7;
	s30 =	sand.u32 $0x78, s25  }
0xcc: {  	s0 =	sand.u32 $0x78, s28;
	s7 =	simm.s32 $0x3;
	s26 =	sand.u32 $0x78, s31;
	v4 =	vmov s2;
	v3 =	vmul.u32 $0x440, v3;
	v5 =	vmov s30  }
0xcd: {  	v6 =	vmov s29;
	v7 =	vmov s0;
	s28 =	sand.u32 $0x78, s7;
	v9 =	vmov s26  }
0xce: {  	s29 =	simm.s32 $0x2;
	v4 =	vshrl.u32 v4, $0x3;
	v6 =	vshrl.u32 v6, $0x3;
	v8 =	vmov s28  }
0xcf: {  	s30 =	sand.u32 $0x78, s29;
	v5 =	vshrl.u32 v5, $0x3;
	v9 =	vshrl.u32 v9, $0x3;
	v4 =	vshll.u32 v4, v1  }
0xd0: {  	_ =	swait.ge [sflag:s16], $0x4000;
	v3 =	vbroadcast v3, $0x0;
	v6 =	vshll.u32 v6, v1;
	v11 =	vmov s30  }
0xd1: {  	[sflag:s16] =	ssyncset.done $0x0;
	v5 =	vshll.u32 v5, v1;
	v8 =	vshrl.u32 v8, $0x3;
	v4 =	vbroadcast v4, $0x0  }
0xd2: {  	s25 =	simm.s32 $0x44F0;
	[sflag:s16] =	ssyncadd.s32 $0xFFFFC000;
	v19 =	vbroadcast v6, $0x0;
	v6 =	vshrl.u32 v7, $0x3;
	v10 =	vadd.s32 v0, v3  }
0xd3: {  	v12 =	vld [tilespmem:s25+$0xFFFFFF10];
	v11 =	vshrl.u32 v11, $0x3;
	v3 =	vadd.s32 v2, v3;
	v13 =	vadd.s32 v4, v10  }
0xd4: {  	s31 =	simm.s32 $0x5;
	v16 =	vadd.s32 v4, v3;
	v4 =	vshll.u32 v6, v1;
	v6 =	vshll.u32 v9, v1  }
0xd5: {  	s0 =	sand.u32 $0x78, s31;
	v8 =	vshll.u32 v8, v1;
	v7 =	vadd.s32 v10, v19;
	v6 =	vbroadcast v6, $0x0  }
0xd6: {  	v14 =	vld [tilespmem:s25+$0xFFFFFF30];
	v9 =	vmov s0;
	v15 =	vor.u32 $0x1, v7;
	v17 =	vbroadcast v4, $0x0  }
0xd7: {  	v18 =	vld [tilespmem:s25+$0xFFFFFFD0];
	v7 =	vbroadcast v5, $0x0;
	v5 =	vshll.u32 v11, v1;
	v11 =	vadd.s32 v10, v6  }
0xd8: {  	v24 =	vld [tilespmem:s25+$0xFFFFFF90];
	v23 =	vbroadcast v8, $0x0;
	v9 =	vshrl.u32 v9, $0x3;
	v11 =	vor.u32 $0x6, v11;
	[tilespmem:v13+s17+$0x0] =	vst.idx.msk $0xffff, v12  }
0xd9: {  	v9 =	vshll.u32 v9, v1;
	v25 =	vbroadcast v5, $0x0;
	v12 =	vadd.s32 v10, v17;
	v20 =	vld [tilespmem:s25+$0xFFFFFF20]  }
0xda: {  	v4 =	vld [tilespmem:s25+$0xFFFFFF50];
	v22 =	vadd.s32 v3, v17;
	v8 =	vadd.s32 v3, v6;
	v21 =	vor.u32 $0x4, v12  }
0xdb: {  	v5 =	vor.u32 $0x6, v8;
	v8 =	vadd.s32 v10, v7;
	v13 =	vld [tilespmem:s25+$0xFFFFFF70];
	v12 =	vbroadcast v9, $0x0  }
0xdc: {  	v17 =	vor.u32 $0x7, v8;
	v8 =	vadd.s32 v10, v25;
	[tilespmem:v15+s17+$0x0] =	vst.idx.msk $0xffff, v14;
	v14 =	vadd.s32 v10, v23;
	v15 =	vld [tilespmem:s25+$0xFFFFFFF0]  }
0xdd: {  	v6 =	vld [tilespmem:s25+$0xFFFFFF40];
	v14 =	vor.u32 $0x3, v14;
	v9 =	vadd.s32 v3, v12;
	v12 =	vadd.s32 v10, v12;
	[tilespmem:v11+s17+$0x0] =	vst.idx.msk $0xffff, v18  }
0xde: {  	v12 =	vor.u32 $0x5, v12;
	v11 =	vor.u32 $0x2, v8;
	v18 =	vadd.s32 v3, v25;
	v10 =	vld [tilespmem:s25+$0xFFFFFFE0];
	[tilespmem:v16+s17+$0x0] =	vst.idx.msk $0xffff, v20  }
0xdf: {  	s26 =	simm.s32 $0x45F0;
	v8 =	vor.u32 $0x4, v22;
	v16 =	vld [tilespmem:s25+$0xFFFFFFB0];
	v20 =	vadd.s32 v3, v19;
	v19 =	vadd.s32 v3, v23;
	[tilespmem:v21+s17+$0x0] =	vst.idx.msk $0xffff, v24  }
.LBB2_21:
0xe0: {  	s0 =	sadd.s32 $0x9, s24  }
0xe1: {  	s2 =	sadd.s32 $0xF, s24;
	v20 =	vor.u32 $0x1, v20;
	v21 =	vld [tilespmem:s25+$0xFFFFFFA0];
	v3 =	vadd.s32 v3, v7;
	s7 =	smov.u32 s24;
	s24 =	sadd.s32 $0x8, s24  }
0xe2: {  	v7 =	vor.u32 $0x2, v18;
	v18 =	vor.u32 $0x3, v19;
	s28 =	sshrl.u32 s24, $0x7;
	s29 =	sand.u32 $0x78, s24;
	s30 =	sadd.s32 $0xC, s7;
	[tilespmem:v17+s17+$0x0] =	vst.idx.msk $0xffff, v15;
	v15 =	vor.u32 $0x7, v3  }
0xe3: {  	v9 =	vor.u32 $0x5, v9;
	s0 =	sand.u32 $0x78, s0;
	s2 =	sand.u32 $0x78, s2;
	v3 =	vmov s28;
	v17 =	vmov s29;
	s28 =	sadd.s32 $0xE, s7;
	[tilespmem:v14+s17+$0x0] =	vst.idx.msk $0xffff, v13  }
0xe4: {  	s29 =	sand.u32 $0x78, s30;
	s30 =	sadd.s32 $0xD, s7;
	v14 =	vmov s2;
	v13 =	vshrl.u32 v17, $0x3;
	v3 =	vmul.u32 $0x440, v3;
	s28 =	sand.u32 $0x78, s28;
	[tilespmem:v12+s17+$0x0] =	vst.idx.msk $0xffff, v16;
	v12 =	vld [tilespmem:s25+$0x0]  }
0xe5: {  	s2 =	sadd.s32 $0xB, s7;
	v16 =	vmov s0;
	s0 =	sadd.s32 $0xA, s7;
	v17 =	vmov s29;
	s7 =	sand.u32 $0x78, s30;
	v13 =	vshll.u32 v13, v1;
	[tilespmem:v11+s17+$0x0] =	vst.idx.msk $0xffff, v4;
	v4 =	vld [tilespmem:s25+$0xFFFFFFC0]  }
0xe6: {  	p0 =	slt.u32 s24, $0x1F8;
	s2 =	sand.u32 $0x78, s2;
	s0 =	sand.u32 $0x78, s0;
	v3 =	vbroadcast v3, $0x0;
	v11 =	vbroadcast v13, $0x0;
	v13 =	vshrl.u32 v16, $0x3;
	[tilespmem:v20+s17+$0x0] =	vst.idx.msk $0xffff, v6;
	v6 =	vld [tilespmem:s25+$0xFFFFFF60]  }
0xe7: {  	v14 =	vshrl.u32 v14, $0x3;
	v19 =	vmov s28;
	v16 =	vmov s2;
	v20 =	vld [tilespmem:s25+$0xFFFFFF80];
	[tilespmem:v5+s17+$0x0] =	vst.idx.msk $0xffff, v10;
	s25 =	smov.u32 s26  }
0xe8: {  	v5 =	vshrl.u32 v19, $0x3;
	v10 =	vadd.s32 v0, v3;
	v3 =	vadd.s32 v2, v3;
	[tilespmem:v8+s17+$0x0] =	vst.idx.msk $0xffff, v21  }
0xe9: {  	v14 =	vshll.u32 v14, v1;
	v8 =	vshll.u32 v13, v1;
	v13 =	vmov s0;
	[tilespmem:v15+s17+$0x0] =	vst.idx.msk $0xffff, v12  }
0xea: {  	v19 =	vadd.s32 v11, v3;
	v21 =	vbroadcast v8, $0x0;
	v8 =	vshrl.u32 v17, $0x3;
	[tilespmem:v9+s17+$0x0] =	vst.idx.msk $0xffff, v4  }
0xeb: {  	v5 =	vshll.u32 v5, v1;
	v11 =	vadd.s32 v11, v10;
	v4 =	vshll.u32 v8, v1;
	v9 =	vld [tilespmem:s26+$0xFFFFFF10]  }
0xec: {  	v12 =	vshrl.u32 v16, $0x3;
	v15 =	vmov s7;
	v8 =	vadd.s32 v10, v21;
	[tilespmem:v18+s17+$0x0] =	vst.idx.msk $0xffff, v20  }
0xed: {  	v5 =	vbroadcast v5, $0x0;
	v15 =	vshrl.u32 v15, $0x3;
	v8 =	vor.u32 $0x1, v8;
	v16 =	vld [tilespmem:s26+$0xFFFFFF30];
	[tilespmem:v7+s17+$0x0] =	vst.idx.msk $0xffff, v6  }
0xee: {  	v6 =	vshrl.u32 v13, $0x3;
	v13 =	vbroadcast v4, $0x0;
	v7 =	vbroadcast v14, $0x0  }
0xef: {  	v14 =	vshll.u32 v15, v1;
	v15 =	vadd.s32 v10, v5;
	v6 =	vshll.u32 v6, v1;
	v4 =	vld [tilespmem:s26+$0xFFFFFF50]  }
0xf0: {  	v20 =	vor.u32 $0x6, v15;
	[tilespmem:v11+s17+$0x0] =	vst.idx.msk $0xffff, v9;
	v9 =	vshll.u32 v12, v1;
	v11 =	vadd.s32 v10, v13;
	v18 =	vld [tilespmem:s26+$0xFFFFFFD0]  }
0xf1: {  	v24 =	vadd.s32 v3, v13;
	v22 =	vld [tilespmem:s26+$0xFFFFFF20];
	v23 =	vor.u32 $0x4, v11;
	v11 =	vbroadcast v14, $0x0  }
0xf2: {  	v5 =	vadd.s32 v3, v5;
	v25 =	vbroadcast v9, $0x0;
	[tilespmem:v8+s17+$0x0] =	vst.idx.msk $0xffff, v16;
	v8 =	vbroadcast v6, $0x0;
	v26 =	vld [tilespmem:s26+$0xFFFFFF90]  }
.Ltmp9:
0xf3: {  	v5 =	vor.u32 $0x6, v5;
	v12 =	vadd.s32 v10, v7;
	v6 =	vld [tilespmem:s26+$0xFFFFFF40];
	v9 =	vadd.s32 v3, v11;
	(pc) =	sbr.rel @p0 .LBB2_21-.Ltmp9, $4  }
0xf4: {  	v17 =	vor.u32 $0x7, v12;
	v14 =	vadd.s32 v10, v25;
	v11 =	vadd.s32 v10, v11;
	v15 =	vld [tilespmem:s26+$0xFFFFFFF0]  }
0xf5: {  	v10 =	vadd.s32 v10, v8;
	v14 =	vor.u32 $0x3, v14;
	v12 =	vor.u32 $0x5, v11;
	v13 =	vld [tilespmem:s26+$0xFFFFFF70];
	[tilespmem:v20+s17+$0x0] =	vst.idx.msk $0xffff, v18  }
0xf6: {  	v11 =	vor.u32 $0x2, v10;
	v18 =	vadd.s32 v3, v8;
	v8 =	vor.u32 $0x4, v24;
	[tilespmem:v19+s17+$0x0] =	vst.idx.msk $0xffff, v22;
	v16 =	vld [tilespmem:s26+$0xFFFFFFB0]  }
0xf7: {  	v20 =	vadd.s32 v3, v21;
	v19 =	vadd.s32 v3, v25;
	s26 =	sadd.s32 $0x100, s26;
	[tilespmem:v23+s17+$0x0] =	vst.idx.msk $0xffff, v26;
	v10 =	vld [tilespmem:s25+$0xFFFFFFE0]  }
0xf8: {  	_ =	sdelay $0x3  }
0xf9: {  	v20 =	vor.u32 $0x1, v20;
	[tilespmem:v11+s17+$0x0] =	vst.idx.msk $0xffff, v4  }
0xfa: {  	v57 =	vld [tilespmem:s25+$0xFFFFFFA0];
	[tilespmem:v17+s17+$0x0] =	vst.idx.msk $0xffff, v15  }
0xfb: {  	v3 =	vadd.s32 v3, v7;
	v62 =	vor.u32 $0x2, v18;
	v63 =	vld [tilespmem:s25+$0xFFFFFF60];
	[tilespmem:v14+s17+$0x0] =	vst.idx.msk $0xffff, v13  }
0xfc: {  	v3 =	vor.u32 $0x7, v3;
	v58 =	vld [tilespmem:s25+$0x0];
	[tilespmem:v12+s17+$0x0] =	vst.idx.msk $0xffff, v16  }
0xfd: {  	v60 =	vor.u32 $0x3, v19;
	v61 =	vld [tilespmem:s25+$0xFFFFFF80];
	[tilespmem:v5+s17+$0x0] =	vst.idx.msk $0xffff, v10  }
0xfe: {  	v9 =	vor.u32 $0x5, v9;
	v59 =	vld [tilespmem:s25+$0xFFFFFFC0];
	[tilespmem:v20+s17+$0x0] =	vst.idx.msk $0xffff, v6  }
0xff: {  	[tilespmem:v8+s17+$0x0] =	vst.idx.msk $0xffff, v57  }
0x100: {  	s0 =	sshll.u32 s22, $0x10;
	[tilespmem:v62+s17+$0x0] =	vst.idx.msk $0xffff, v63  }
0x101: {  	s2 =	sadd.s32 s1, s23;
	s0 =	sand.u32 $0x1FFF0000, s0;
	[tilespmem:v3+s17+$0x0] =	vst.idx.msk $0xffff, v58  }
0x102: {  	s23 =	simm.s32 $0xD900;
	s22 =	sadd.s32 s0, s2;
	[tilespmem:v60+s17+$0x0] =	vst.idx.msk $0xffff, v61  }
0x103: {  	s24 =	simm.s32 $0x10;
	s26 =	sadd.s32 $0x0, s22;
	s25 =	simm.s32 $0xD988;
	[tilespmem:v9+s17+$0x0] =	vst.idx.msk $0xffff, v59  }
.LBB2_23:
0x104: {  	[hbm4b:s26+s3] =	stream.linear.scatter [tilespmem:s23], [sflag:$0x4], $0x80, $0x38;
	[tilespmem:$0x12E00] =	vst v63  }
0x105: {  	s0 =	smov.u32 s24;
	s23 =	smov.u32 s25;
	p0 =	sne.s32 s24, $0x1F0  }
.Ltmp10:
0x106: {  	s24 =	sadd.s32 $0x10, s24;
	(pc) =	sbr.rel @p0 .LBB2_23-.Ltmp10, $2  }
0x107: {  	_ =	sdelay $0x2  }
0x108: {  	s25 =	sadd.s32 $0x88, s25;
	s26 =	sadd.s32 s0, s22  }
0x109: {  	[hbm4b:s26+s3] =	stream.linear.scatter [tilespmem:s23], [sflag:$0x4], $0x80, $0x38;
	[tilespmem:$0x12E00] =	vst v63  }
0x10a: {  	s23 =	sadd.s32 $0x4000, s22;
	s24 =	simm.s32 $0xEE40  }
0x10b: {  	s25 =	simm.s32 $0x10;
	s26 =	simm.s32 $0xEEC8;
	s28 =	sadd.s32 $0x0, s23  }
.LBB2_25:
0x10c: {  	[hbm4b:s28+s3] =	stream.linear.scatter [tilespmem:s24], [sflag:$0x4], $0x80, $0x38;
	[tilespmem:$0x12E00] =	vst v63  }
0x10d: {  	s0 =	smov.u32 s25;
	s24 =	smov.u32 s26;
	p0 =	sne.s32 s25, $0x1F0  }
.Ltmp11:
0x10e: {  	s25 =	sadd.s32 $0x10, s25;
	(pc) =	sbr.rel @p0 .LBB2_25-.Ltmp11, $2  }
0x10f: {  	_ =	sdelay $0x2  }
0x110: {  	s26 =	sadd.s32 $0x88, s26;
	s28 =	sadd.s32 s0, s23  }
0x111: {  	[hbm4b:s28+s3] =	stream.linear.scatter [tilespmem:s24], [sflag:$0x4], $0x80, $0x38;
	[tilespmem:$0x12E00] =	vst v63  }
0x112: {  	s23 =	sadd.s32 $0x8000, s22;
	s24 =	simm.s32 $0x10380  }
0x113: {  	s25 =	simm.s32 $0x10;
	s26 =	simm.s32 $0x10408;
	s28 =	sadd.s32 $0x0, s23  }
.LBB2_27:
0x114: {  	[hbm4b:s28+s3] =	stream.linear.scatter [tilespmem:s24], [sflag:$0x4], $0x80, $0x38;
	[tilespmem:$0x12E00] =	vst v63  }
0x115: {  	s0 =	smov.u32 s25;
	s24 =	smov.u32 s26;
	p0 =	sne.s32 s25, $0x1F0  }
.Ltmp12:
0x116: {  	s25 =	sadd.s32 $0x10, s25;
	(pc) =	sbr.rel @p0 .LBB2_27-.Ltmp12, $2  }
0x117: {  	_ =	sdelay $0x2  }
0x118: {  	s26 =	sadd.s32 $0x88, s26;
	s28 =	sadd.s32 s0, s23  }
0x119: {  	[hbm4b:s28+s3] =	stream.linear.scatter [tilespmem:s24], [sflag:$0x4], $0x80, $0x38;
	[tilespmem:$0x12E00] =	vst v63  }
0x11a: {  	s22 =	sadd.s32 $0xC000, s22;
	s23 =	simm.s32 $0x118C0  }
0x11b: {  	s24 =	simm.s32 $0x10;
	s25 =	simm.s32 $0x11948;
	s26 =	sadd.s32 $0x0, s22  }
.LBB2_29:
0x11c: {  	[hbm4b:s26+s3] =	stream.linear.scatter [tilespmem:s23], [sflag:$0x4], $0x80, $0x38;
	[tilespmem:$0x12E00] =	vst v63  }
0x11d: {  	s0 =	smov.u32 s24;
	s23 =	smov.u32 s25;
	p0 =	sne.s32 s24, $0x1F0  }
.Ltmp13:
0x11e: {  	s24 =	sadd.s32 $0x10, s24;
	(pc) =	sbr.rel @p0 .LBB2_29-.Ltmp13, $2  }
0x11f: {  	_ =	sdelay $0x2  }
0x120: {  	s25 =	sadd.s32 $0x88, s25;
	s26 =	sadd.s32 s0, s22  }
0x121: {  	s21 =	sadd.s32 $0x1, s21  }
0x122: {  	p0 =	sne.s32 s21, $0x64  }
.Ltmp14:
0x123: {  	_ = 	snop;
	(pc) =	sbr.rel @p0 .LBB2_4-.Ltmp14, $2  }
0x124: {  	_ =	sdelay $0x2  }
0x125: {  	[hbm4b:s26+s3] =	stream.linear.scatter [tilespmem:s23], [sflag:$0x4], $0x80, $0x38;
	[tilespmem:$0x12E00] =	vst v63  }
0x126: {  	s20 =	sadd.s32 $0x1, s20  }
0x127: {  	_ =	swait.ge [sflag:s18], $0x4000;
	p0 =	sne.s32 s20, s9  }
.Ltmp15:
0x128: {  	[sflag:s18] =	ssyncset.done $0x0;
	(pc) =	sbr.rel @p0 .LBB2_1-.Ltmp15, $4  }
0x129: {  	[sflag:s18] =	ssyncadd.s32 $0xFFFFC000  }
0x12a: {  	_ =	swait.ge [sflag:s19], $0x4000  }
0x12b: {  	[sflag:s19] =	ssyncset.done $0x0  }
0x12c: {  	[sflag:s19] =	ssyncadd.s32 $0xFFFFC000  }
0x12d: {  	_ =	sfence.sel $0x180000  }
0x12e: {  	[bflag:$0x0] =	sbarrier.arrive $0xFFFF  }
0x12f: {  	_ =	strace $0x9000004A  }
0x130: {  	s0 =	stileid.u32;
	[bflag:$0x2] =	sbarrier.arrive $0xFFFF  }
0x131: {  	p0 =	sne.s32 s0, $0x0;
	s0 =	rddreg [dreg:$0x2]  }
0x132: {  	s0 =	sadd.s32 @!p0 $0x100000, s0  }
0x133: {  	[sflag:s0] =	ssyncadd.tile.s32 @!p0 $0x1;
	_ =	shalt  }
.Lfunc_end2:
_tile_overlayer_lowered:
.L_overlay_start_2:
0x134: {  	(tag) =	ssettag $0x2  }
0x135: {  	s0 =	rddreg [dreg:$0x0];
	s2 =	stileid.u32  }
0x136: {  	s1 =	rddreg [dreg:$0x1];
	p0 =	sne.s32 s2, $0x0  }
0x137: {  	s3 =	rddreg [dreg:$0x2];
	[bflag:$0x3] =	sbarrier.arrive $0xFFFF;
	s2 =	simm.s32 @!p0 $0x1C05  }
0x138: {  	[timem:s3], [sflag:s2] =	dma.local @!p0 [hbm:s0], s1  }
0x139: {  	s0 =	simm.s32 @!p0 $0x5  }
0x13a: {  	_ =	swait.ge @!p0 [sflag:s0], s1  }
0x13b: {  	s1 =	ssub.s32 @!p0 $0x0, s1;
	[sflag:s0] =	ssyncset.done @!p0 $0x0  }
0x13c: {  	[sflag:s0] =	ssyncadd.s32 @!p0 s1  }
0x13d: {  	[bflag:$0x3] =	sbarrier.arrive $0xFFFF  }
0x13e: {  	_ =	shalt  }

// kernel: sparse-core-data-format-call.cloned.1.call-start
scs
called_computation_lowered:
.L_overlay_start_0:
0x0: {  	s2 =	sld [smem:$0x3FD9]  }
0x1: {  	s3 =	sld [smem:$0x3FFE];
	_ =	sdelay $0x1  }
0x2: {  	s1 =	srdreg.scid  }
0x3: {  	s0 =	sand.u32 $0x1, s1  }
0x4: {  	s18 =	sshll.u32 s0, $0xA;
	s2 =	sadd.s32 s3, s2  }
0x5: {  	s2 =	sadd.s32 s2, s18  }
0x6: {  	[smem:$0x3FC6] =	sst s2  }
0x7: {  	_ = 	snop  }
0x8: {  	s2 =	sld [smem:$0x3FC8];
	(tm) =	ssettm $0x1  }
0x9: {  	s19 =	sld [smem:$0x3FFB];
	_ =	sdelay $0x3  }
0xa: {  	_ =	strace s19  }
0xb: {  	s3 =	sld [smem:$0x3FFC];
	_ =	sdelay $0x3  }
0xc: {  	_ =	strace s3  }
0xd: {  	s3 =	sld [smem:$0x3FFD];
	_ =	sdelay $0x3  }
0xe: {  	_ =	strace s3  }
0xf: {  	_ =	strace $0x8FFFFFFF  }
0x10: {  	s20 =	sld [smem:$0x3FDB];
	_ =	sdelay $0x1  }
0x11: {  	s4 =	simm.s32 $_scs_section_size  }
0x12: {  	s5 =	simm.s32 $_size__tile_overlayer_lowered;
	s6 =	simm.s32 $_tile_overlayer_lowered  }
0x13: {  	s23 =	simm.s32 $0x1BFF;
	s22 =	sshll.u32 s6, $0x1;
	s3 =	sadd.s32 s4, s20  }
0x14: {  	s7 =	simm.s32 $0x0;
	s21 =	sshll.u32 s5, $0x1;
	s5 =	sadd.s32 s22, s3  }
0x15: {  	[timem:s7], [sflag:s23] =	dma.local [hbm:s5], s21  }
0x16: {  	_ =	swait.ge [sflag:s23], s21  }
0x17: {  	s4 =	ssub.s32 $0x0, s21;
	[sflag:s23] =	ssyncset.done $0x0  }
0x18: {  	[sflag:s23] =	ssyncadd.s32 s4;
	_ =	sdelay $0x1  }
0x19: {  	s24 =	simm.s32 $0x1B8B  }
0x1a: {  	_ =	swait.ge [sflag:s24], $0x1  }
0x1b: {  	[sflag:s24] =	ssyncset.done $0x0  }
0x1c: {  	s26 =	simm.s32 $0x1B8E;
	s25 =	sld [smem:$0x3FFE];
	[sflag:s24] =	ssyncadd.s32 $0xFFFFFFFF  }
0x1d: {  	s27 =	simm.s32 $execute0_lowered;
	[smem:$0x3FD2] =	sst s26  }
0x1e: {  	s5 =	sshll.u32 s27, $0x1;
	_ =	strace $0x80000046;
	[dreg:$0x1] =	wrdreg $0xFFFFFFFF  }
0x1f: {  	s28 =	simm.s32 $_size_execute0_lowered;
	s3 =	sadd.s32 s3, s5;
	[dreg:$0x0] =	wrdreg $0x0  }
0x20: {  	s5 =	sshll.u32 s28, $0x1;
	[dreg:$0x2] =	wrdreg s3  }
0x21: {  	[dreg:$0x3] =	wrdreg s5  }
0x22: {  	[dreg:$0x4] =	wrdreg $0xC0  }
0x23: {  	_ =	task [dreg:s7], $0x5FFFF  }
0x24: {  	[dreg:$0x1] =	wrdreg $0xFFFFFFFF  }
0x25: {  	[dreg:$0x0] =	wrdreg $0x60  }
0x26: {  	[dreg:$0x2] =	wrdreg s2  }
0x27: {  	[dreg:$0x3] =	wrdreg s25  }
0x28: {  	[dreg:$0x4] =	wrdreg $0x9  }
0x29: {  	_ =	task.clear_ibuf [dreg:s7], $0x5FFFF;
	_ =	strace $0x90000046  }
0x2a: {  	s29 =	simm.s32 $0x9;
	_ =	strace $0x80000048  }
0x2b: {  	_ =	swait.ge [sflag:s29], $0x1  }
0x2c: {  	[sflag:s29] =	ssyncadd.s32 $0xFFFFFFFF  }
0x2d: {  	_ =	strace $0x90000048  }
0x2e: {  	_ =	sfence  }
0x2f: {  	s30 =	sld [smem:$0x0];
	_ =	sdelay $0x2  }
0x30: {  	s31 =	sshll.u32 s1, $0xD;
	s1 =	sshrl.u32 s1, $0x2  }
0x31: {  	s3 =	sand.u32 $0x4000, s31;
	s1 =	sadd.s32 s1, s30  }
0x32: {  	s0 =	sor.u32 s3, s0;
	s1 =	sshll.u32 s1, $0x11  }
0x33: {  	s0 =	sor.u32 s1, s0  }
0x34: {  	s0 =	sadd.s32 $0x8F2B, s0  }
0x35: {  	[sflag:s0] =	ssyncadd.remote.s32 $0x1  }
0x36: {  	_ =	sfence.sel $0xFFFF  }
0x37: {  	[dreg:$0x0] =	wrdreg $0xFFFFFFFF;
	(pc) =	sbr.abs _section_cstart, $3  }
0x38: {  	[dreg:$0x1] =	wrdreg $0xFFFFFFFF  }
0x39: {  	_ =	task.clear_ibuf [dreg:s7], $0x2FFFF;
	_ =	strace $0x9FFFFFFF  }
0x3a: {  	(tm) =	ssettm $0x7FFFFFFF  }
0x3b: {  	_ =	shalt  }
tec
execute0_lowered:
.L_overlay_start_1:
0x0: {  	(tag) =	ssettag $0x1  }
0x1: {  	s0 =	srdreg.scid;
	s2 =	rddreg [dreg:$0x0]  }
0x2: {  	s5 =	rddreg [dreg:$0x1];
	s1 =	stileid.u32  }
0x3: {  	s4 =	simm.s32 $0x1;
	s6 =	simm.s32 $0x2;
	s15 =	simm.s32 $0x0  }
0x4: {  	p0 =	por $0x0, $0x0;
	s8 =	simm.s32 $0x80;
	s0 =	sshll.u32 s0, $0x4  }
0x5: {  	s14 =	simm.s32 $0x0;
	s9 =	simm.s32 $0x0;
	s3 =	sand.u32 $0x10, s0  }
.Ltmp0:
0x6: {  	s10 =	simm.s32 $0x0;
	s3 =	sor.u32 s1, s3;
	(pc) =	sbr.rel .LBB1_1-.Ltmp0, $4  }
0x7: {  	s0 =	rddreg [dreg:$0x2];
	_ =	strace $0x80000047;
	s3 =	sshll.u32 s3, $0x7  }
0x8: {  	s12 =	simm.s32 $0x0;
	[sflag:s4] =	ssyncpa.u1 $0x0;
	s7 =	ssub.s32 $0xF4200, s3  }
0x9: {  	s13 =	simm.s32 $0x0;
	[sflag:s6] =	ssyncpa.u1 $0x0;
	s6 =	sshrl.u32 s7, $0xC  }
0xa: {  	s5 =	sadd.s32 $0xA00, s5;
	s11 =	smov.u32 s3;
	s7 =	sadd.s32 $0x2, s6  }
.LBB1_5:
0xb: {  	p1 =	slt.u32 s13, $0x2  }
0xc: {  	s17 =	smov.u32 s15;
	p2 =	sgt.s32 @!p1 s15, $0xF41C0;
	s16 =	sshra.s32 @!p1 s15, $0x1F  }
0xd: {  	p3 =	sgt.s32 @!p1 s14, $0x60;
	s18 =	sshra.s32 @!p1 s14, $0x1F;
	p2 =	por !p2, p1  }
0xe: {  	s15 =	sand.u32 @!p1 s16, s15;
	p3 =	por !p3, p1;
	s16 =	smov.u32 s14  }
0xf: {  	s14 =	sand.u32 @!p1 s18, s14;
	s17 =	simm.s32 @p2 $0xF41C0;
	s16 =	simm.s32 @p3 $0x60  }
0x10: {  	s15 =	ssub.s32 @!p1 s17, s15;
	s14 =	ssub.s32 @!p1 s16, s14  }
0x11: {  	s18 =	smov.u32 s12;
	s16 =	sadd.s32 @!p1 $0xFFF0BE40, s15;
	s17 =	sadd.s32 @!p1 $0xFFFFFFA0, s14  }
0x12: {  	s15 =	ssub.s32 @!p1 $0xF4240, s15;
	p2 =	sgt.s32 @!p1 s16, $0x7F;
	p3 =	sgt.s32 @!p1 s17, $0x1F  }
0x13: {  	s14 =	ssub.s32 @!p1 $0x80, s14;
	p2 =	por !p2, p1;
	p3 =	por !p3, p1  }
0x14: {  	s16 =	sadd.s32 $0x1000, s11;
	s15 =	simm.s32 @!p2 $0x0;
	s14 =	simm.s32 @!p3 $0x0  }
0x15: {  	p2 =	sgt.s32 s16, $0xF423F;
	s14 =	smul.u32 @!p1 s14, s15;
	s15 =	sadd.s32 $0x20, s12  }
0x16: {  	s18 =	smov.u32 @p2 s15  }
0x17: {  	s16 =	smov.u32 @p2 s3;
	p2 =	sgt.s32 s18, $0x1F  }
0x18: {  	s18 =	simm.s32 @p2 $0x0;
	p2 =	sne.s32 s13, s7  }
.Ltmp1:
0x19: {  	p0 =	por !p0, !p0;
	s17 =	simm.s32 @!p1 $0x2;
	(pc) =	sbr.rel @!p2 .LBB1_6-.Ltmp1, $4  }
0x1a: {  	s15 =	smov.u32 s9;
	s9 =	smov.u32 s11;
	s14 =	sand.u32 @!p1 $0x3FFFFFFF, s14  }
0x1b: {  	s11 =	smov.u32 s16;
	_ =	swait.ge @!p1 [sflag:s17], s14;
	s19 =	ssub.s32 @!p1 $0x0, s14  }
0x1c: {  	s14 =	smov.u32 s10;
	s13 =	sadd.s32 $0x1, s13;
	[sflag:s17] =	ssyncset.done @!p1 $0x0  }
0x1d: {  	s10 =	smov.u32 s12;
	s12 =	smov.u32 s18;
	[sflag:s17] =	ssyncadd.s32 @!p1 s19  }
.LBB1_1:
0x1e: {  	p1 =	sgt.u32 s13, s6  }
0x1f: {  	s16 =	sshrl.u32 @!p1 s12, $0x3  }
0x20: {  	s17 =	sshll.u32 @!p1 s11, $0x3;
	s16 =	smul.u32 @!p1 $0x7A1400, s16  }
0x21: {  	s18 =	sshll.u32 @!p1 s12, $0x7;
	s17 =	sand.u32 @!p1 $0xFFFFFC00, s17  }
0x22: {  	s16 =	sadd.s32 @!p1 s16, s17;
	s17 =	sand.u32 @!p1 $0x380, s18  }
0x23: {  	s18 =	sand.u32 @!p1 $0x7F, s11;
	s16 =	sor.u32 @!p1 s17, s16  }
0x24: {  	s17 =	sor.u32 @!p1 s18, s16  }
0x25: {  	s18 =	smulhi.u32 @!p1 $0x218D6287, s17;
	_ =	sdelay $0x1  }
0x26: {  	s16 =	smulhi.u32 @!p1 $0x218D6287, s16;
	s18 =	sshrl.u32 @!p1 s18, $0x11  }
0x27: {  	s18 =	smul.u32 @!p1 $0xF4280, s18  }
0x28: {  	s19 =	sxor.u32 @!p1 $0xFFFFFFFF, s13;
	s16 =	sshrl.u32 @!p1 s16, $0x11  }
0x29: {  	s19 =	sshll.u32 @!p1 s19, $0xC;
	s16 =	sand.u32 @!p1 $0x1F, s16;
	s17 =	ssub.s32 @!p1 s17, s18  }
0x2a: {  	s16 =	smul.u32 @!p1 $0x1E850, s16;
	s18 =	sshrl.u32 @!p1 s17, $0x3;
	s17 =	sand.u32 @!p1 $0x7, s17  }
0x2b: {  	s19 =	sand.u32 @!p1 $0x1000, s19;
	s18 =	sadd.s32 @!p1 s2, s18;
	s17 =	sshll.u32 @!p1 s17, $0x12  }
0x2c: {  	s16 =	sadd.s32 @!p1 s16, s18;
	s17 =	sor.u32 @!p1 $0x400, s17;
	s18 =	simm.s32 @!p1 $0x7A1400  }
0x2d: {  	[tilespmem:s19], [sflag:$0x1] =	stream.strided.gather @!p1 [hbm4b:s16+s17], $0x1000, s18, s17, $0x38;
	[tilespmem:$0x4100] =	vst v63  }
0x2e: {  	p1 =	seq.s32 s13, $0x0  }
0x2f: {  	p2 =	sge.u32 @!p1 s13, s7  }
0x30: {  	p1 =	por p1, p2  }
.Ltmp2:
0x31: {  	_ = 	snop;
	(pc) =	sbr.rel @p1 .LBB1_5-.Ltmp2, $1  }
0x32: {  	_ =	sdelay $0x3  }
0x33: {  	s16 =	simm.s32 $0x1  }
0x34: {  	_ =	swait.ge [sflag:s4], $0x1000;
	s16 =	simm.s32 @!p0 $0x0  }
0x35: {  	[sflag:s4] =	ssyncset.done $0x0;
	s17 =	sshll.u32 s16, $0xC  }
0x36: {  	[sflag:s4] =	ssyncadd.s32 $0xFFFFF000;
	s17 =	sor.u32 $0x40, s17  }
0x37: {  	s16 =	smul.u32 $0x4200, s16;
	v0 =	vld [tilespmem:s17+$0x30]  }
0x38: {  	v1 =	vld [tilespmem:s17+$0xFFFFFFD0]  }
0x39: {  	s16 =	sshrl.u32 s16, $0x2;
	v5 =	vld [tilespmem:s17+$0xFFFFFFE0]  }
0x3a: {  	v6 =	vld [tilespmem:s17+$0xFFFFFFF0];
	s19 =	sor.u32 $0x2000, s16  }
0x3b: {  	s31 =	sand.u32 $0x1, s13;
	v4 =	vld [tilespmem:s17+$0x0];
	s18 =	sadd.s32 $0x0, s19  }
0x3c: {  	v3 =	vld [tilespmem:s17+$0x10];
	s16 =	smul.u32 $0x4200, s31;
	[tilespmem:s18+$0xE70 ss:$0x21] =	vst.msk $0xffff, v0  }
0x3d: {  	v2 =	vld [tilespmem:s17+$0x20];
	[tilespmem:s18+$0x210 ss:$0x21] =	vst.msk $0xffff, v1  }
0x3e: {  	s16 =	sshrl.u32 s16, $0x2;
	v1 =	vld [tilespmem:s17+$0xFFFFFFC0];
	[tilespmem:s18+$0x420 ss:$0x21] =	vst.msk $0xffff, v5;
	s17 =	sadd.s32 $0x80, s17  }
0x3f: {  	s20 =	simm.s32 $0x4;
	s21 =	simm.s32 $0x8;
	s16 =	sor.u32 $0x2000, s16;
	[tilespmem:s18+$0x630 ss:$0x21] =	vst.msk $0xffff, v6;
	v0 =	vld [tilespmem:s17+$0x30]  }
.LBB1_3:
0x40: {  	p1 =	sne.s32 s21, $0x7C;
	v5 =	vld [tilespmem:s17+$0xFFFFFFD0];
	[tilespmem:s18+$0x840 ss:$0x21] =	vst.msk $0xffff, v4  }
0x41: {  	v6 =	vld [tilespmem:s17+$0xFFFFFFE0];
	[tilespmem:s18+$0xA50 ss:$0x21] =	vst.msk $0xffff, v3  }
0x42: {  	s22 =	sshra.s32 s20, $0x2;
	s20 =	smov.u32 s21;
	v7 =	vld [tilespmem:s17+$0xFFFFFFF0];
	[tilespmem:s18+$0xC60 ss:$0x21] =	vst.msk $0xffff, v2  }
.Ltmp3:
0x43: {  	v4 =	vld [tilespmem:s17+$0x0];
	[tilespmem:s18+$0x0 ss:$0x21] =	vst.msk $0xffff, v1;
	s18 =	sadd.s32 s22, s19;
	(pc) =	sbr.rel @p1 .LBB1_3-.Ltmp3, $4  }
0x44: {  	v3 =	vld [tilespmem:s17+$0x10];
	[tilespmem:s18+$0xE70 ss:$0x21] =	vst.msk $0xffff, v0  }
0x45: {  	[tilespmem:s18+$0x210 ss:$0x21] =	vst.msk $0xffff, v5;
	v2 =	vld [tilespmem:s17+$0x20]  }
0x46: {  	v1 =	vld [tilespmem:s17+$0xFFFFFFC0];
	[tilespmem:s18+$0x420 ss:$0x21] =	vst.msk $0xffff, v6;
	s17 =	sadd.s32 $0x80, s17  }
0x47: {  	s21 =	sadd.s32 $0x4, s21;
	v0 =	vld [tilespmem:s17+$0x30];
	[tilespmem:s18+$0x630 ss:$0x21] =	vst.msk $0xffff, v7  }
0x48: {  	s21 =	sshll.u32 s9, $0x7;
	s22 =	sshll.u32 s10, $0x3;
	s20 =	sshra.s32 s20, $0x2  }
0x49: {  	p1 =	sgt.s32 s9, $0xF41C0;
	s30 =	sshra.s32 s9, $0x1F;
	s25 =	sshra.s32 s10, $0x1F  }
0x4a: {  	v5 =	vld [tilespmem:s17+$0xFFFFFFD0];
	s28 =	sshrl.u32 s10, $0x3;
	s23 =	sand.u32 $0xFFFFFC00, s21;
	s22 =	sand.u32 $0xFFFFFC00, s22  }
0x4b: {  	[tilespmem:s18+$0x840 ss:$0x21] =	vst.msk $0xffff, v4;
	v58 =	vld [tilespmem:s17+$0xFFFFFFE0];
	s21 =	sand.u32 $0x380, s21;
	s19 =	sadd.s32 s20, s19;
	s22 =	sadd.s32 s22, s23  }
0x4c: {  	v59 =	vld [tilespmem:s17+$0xFFFFFFF0];
	[tilespmem:s18+$0xA50 ss:$0x21] =	vst.msk $0xffff, v3;
	s29 =	sor.u32 s21, s22;
	s21 =	smov.u32 s9;
	s22 =	sand.u32 s30, s9  }
0x4d: {  	v60 =	vld [tilespmem:s17+$0x0];
	[tilespmem:s18+$0xC60 ss:$0x21] =	vst.msk $0xffff, v2;
	s30 =	sand.u32 $0x7, s10;
	s20 =	sshrl.u32 s29, $0x7;
	s21 =	simm.s32 @!p1 $0xF41C0  }
0x4e: {  	v61 =	vld [tilespmem:s17+$0x10];
	[tilespmem:s18+$0x0 ss:$0x21] =	vst.msk $0xffff, v1;
	p1 =	sgt.s32 s10, $0x60;
	s24 =	ssub.s32 s21, s22;
	s21 =	smov.u32 s10  }
0x4f: {  	v62 =	vld [tilespmem:s17+$0x20];
	[tilespmem:s19+$0xE70 ss:$0x21] =	vst.msk $0xffff, v0;
	s31 =	smulhi.u32 $0x218DEF5, s20;
	s22 =	sand.u32 s25, s10;
	s21 =	simm.s32 @!p1 $0x60  }
0x50: {  	v63 =	vld [tilespmem:s17+$0xFFFFFFC0];
	[tilespmem:s19+$0x210 ss:$0x21] =	vst.msk $0xffff, v5;
	s26 =	sadd.s32 $0xFFF0BE40, s24;
	s17 =	ssub.s32 $0xF4240, s24;
	s21 =	ssub.s32 s21, s22  }
0x51: {  	[tilespmem:s19+$0x420 ss:$0x21] =	vst.msk $0xffff, v58;
	s23 =	sshrl.u32 s31, $0xD;
	p1 =	sgt.s32 s26, $0x7F;
	s27 =	sadd.s32 $0xFFFFFFA0, s21  }
0x52: {  	[tilespmem:s19+$0x630 ss:$0x21] =	vst.msk $0xffff, v59;
	s23 =	smul.u32 $0xF4240, s23;
	s18 =	ssub.s32 $0x80, s21;
	p2 =	sgt.s32 s27, $0x1F  }
.Ltmp4:
0x53: {  	[tilespmem:s19+$0x840 ss:$0x21] =	vst.msk $0xffff, v60;
	s17 =	simm.s32 @p1 $0x0;
	s18 =	simm.s32 @p2 $0x0;
	(pc) =	sbr.rel .LBB1_5-.Ltmp4, $4  }
0x54: {  	s29 =	sand.u32 $0xF, s28;
	[tilespmem:s19+$0xA50 ss:$0x21] =	vst.msk $0xffff, v61;
	s20 =	ssub.s32 s20, s23;
	s17 =	smul.u32 s18, s17  }
0x55: {  	[tilespmem:s19+$0xC60 ss:$0x21] =	vst.msk $0xffff, v62;
	s21 =	sshll.u32 s30, $0x12;
	s20 =	sshll.u32 s20, $0x4;
	s18 =	sadd.s32 s5, s29  }
0x56: {  	[tilespmem:s19+$0x0 ss:$0x21] =	vst.msk $0xffff, v63;
	s31 =	sor.u32 $0x20, s21;
	s18 =	sadd.s32 s20, s18;
	s17 =	sand.u32 $0x3FFFFFFF, s17  }
0x57: {  	[hbm4b:s18+s31] =	stream.strided.scatter [tilespmem:s16], [sflag:$0x2], s17, s8, s31, $0x10;
	[tilespmem:$0x4100] =	vst v63  }
.LBB1_6:
0x58: {  	_ =	sfence.sel $0x180000  }
0x59: {  	s2 =	simm.s32 $0x1;
	[bflag:$0x0] =	sbarrier.arrive $0xFFFF  }
0x5a: {  	s31 =	simm.s32 $0x2;
	[sflag:s2] =	ssyncpa.u1 $0x1  }
0x5b: {  	[sflag:s31] =	ssyncpa.u1 $0x1  }
0x5c: {  	p0 =	sne.s32 s1, $0x0;
	_ =	strace $0x90000047  }
0x5d: {  	s0 =	sadd.s32 @!p0 $0x100000, s0;
	[bflag:$0x2] =	sbarrier.arrive $0xFFFF  }
0x5e: {  	[sflag:s0] =	ssyncadd.tile.s32 @!p0 $0x1;
	_ =	shalt  }
.Lfunc_end1:
_tile_overlayer_lowered:
.L_overlay_start_2:
0x5f: {  	(tag) =	ssettag $0x2  }
0x60: {  	s0 =	rddreg [dreg:$0x0];
	s2 =	stileid.u32  }
0x61: {  	s1 =	rddreg [dreg:$0x1];
	p0 =	sne.s32 s2, $0x0  }
0x62: {  	s3 =	rddreg [dreg:$0x2];
	[bflag:$0x3] =	sbarrier.arrive $0xFFFF;
	s2 =	simm.s32 @!p0 $0x1C01  }
0x63: {  	[timem:s3], [sflag:s2] =	dma.local @!p0 [hbm:s0], s1  }
0x64: {  	s0 =	simm.s32 @!p0 $0x1  }
0x65: {  	_ =	swait.ge @!p0 [sflag:s0], s1  }
0x66: {  	s1 =	ssub.s32 @!p0 $0x0, s1;
	[sflag:s0] =	ssyncset.done @!p0 $0x0  }
0x67: {  	[sflag:s0] =	ssyncadd.s32 @!p0 s1  }
0x68: {  	[bflag:$0x3] =	sbarrier.arrive $0xFFFF  }
0x69: {  	_ =	shalt  }

</sc_bundles>
